<compile_context>
chip_gen: v7x
topology: tpu7x:2x2x1
jax: 0.10.2.dev20260603
libtpu: 0.0.44.dev20260713+nightly
codegen_flags: <defaults>
</compile_context>

<pallas_src>
import functools

import jax
import jax.numpy as jnp
from jax import lax
from jax.experimental import pallas as pl
from jax.experimental.pallas import tpu as pltpu
from jax.experimental.pallas import tpu_sc as plsc

_EPS = 1e-12
_LANES = 16
_CHUNK = 128


def _tree_sum(vs):
    while len(vs) > 1:
        vs = [a + b for a, b in zip(vs[::2], vs[1::2])] + (
            [vs[-1]] if len(vs) % 2 else [])
    return vs[0]


def kernel(input_ids, token_table, pos_table, gamma, beta):
    B, S = input_ids.shape
    V, D = token_table.shape
    N = B * S
    nv = D // _LANES

    mesh = plsc.VectorSubcoreMesh(core_axis_name="c", subcore_axis_name="s")
    NC, NS = mesh.num_cores, mesh.num_subcores
    NW = NC * NS
    RPW = N // NW
    NCH = RPW // _CHUNK

    ids3 = input_ids.reshape(NW, NCH, _CHUNK).astype(jnp.int32)

    @functools.partial(
        pl.kernel,
        out_type=jax.ShapeDtypeStruct((N, D), jnp.float32),
        mesh=mesh,
        scratch_types=[
            pltpu.VMEM((NCH, _CHUNK), jnp.int32),
            pltpu.VMEM((RPW, D), jnp.float32),
            pltpu.VMEM((D,), jnp.float32),
            pltpu.VMEM((D,), jnp.float32),
        ] + [pltpu.SemaphoreType.DMA] * (NCH + 2),
    )
    def emb_kernel(ids_hbm, tok_hbm, pos_hbm, g_hbm, b_hbm, out_hbm,
                   idx_v, rows_v, g_v, b_v, *sems):
        gather_sems = sems[:NCH]
        stage_sem = sems[NCH]
        out_sem = sems[NCH + 1]
        wid = lax.axis_index("s") * NC + lax.axis_index("c")
        base = wid * RPW

        idx_cp = pltpu.async_copy(ids_hbm.at[wid], idx_v, stage_sem)
        g_cp = pltpu.async_copy(g_hbm, g_v, stage_sem)
        b_cp = pltpu.async_copy(b_hbm, b_v, stage_sem)
        pos_base = lax.rem(base, S)
        gathers = []
        for j in range(NCH):
            pltpu.sync_copy(pos_hbm.at[pl.ds(pos_base + j * _CHUNK, _CHUNK)],
                            rows_v.at[pl.ds(j * _CHUNK, _CHUNK)])
            if j == 0:
                idx_cp.wait()
                g_cp.wait()
                b_cp.wait()
            gathers.append(
                pltpu.async_copy(tok_hbm.at[idx_v.at[j]],
                                 rows_v.at[pl.ds(j * _CHUNK, _CHUNK)],
                                 gather_sems[j], add=True))
        g_regs = [g_v[pl.ds(i * _LANES, _LANES)] for i in range(nv)]
        b_regs = [b_v[pl.ds(i * _LANES, _LANES)] for i in range(nv)]

        inv_d = jnp.float32(1.0 / D)
        lane = lax.iota(jnp.int32, _LANES)
        perms = [(lane ^ k)[:, None] for k in (8, 4, 2, 1)]
        dnums = lax.GatherDimensionNumbers(
            offset_dims=(), collapsed_slice_dims=(0,), start_index_map=(0,))

        def _permute(v, p):
            return lax.gather(v, p, dnums, slice_sizes=(1,),
                              mode=lax.GatherScatterMode.PROMISE_IN_BOUNDS)

        def _reduce_all(v):
            for p in perms:
                v = v + _permute(v, p)
            return v

        def row_body(r):
            x = [rows_v[r, pl.ds(i * _LANES, _LANES)] for i in range(nv)]
            mean_v = _reduce_all(_tree_sum(x)) * inv_d
            var_v = (_reduce_all(_tree_sum([xi * xi for xi in x])) * inv_d
                     - mean_v * mean_v)
            a = var_v + jnp.float32(_EPS)
            yi = jnp.int32(0x5F3759DF) - lax.shift_right_logical(
                lax.bitcast_convert_type(a, jnp.int32), 1)
            y = lax.bitcast_convert_type(yi, jnp.float32)
            half = a * jnp.float32(0.5)
            for _ in range(2):
                y = y * (jnp.float32(1.5) - half * y * y)
            for i in range(nv):
                rows_v[r, pl.ds(i * _LANES, _LANES)] = (
                    (x[i] - mean_v) * y * g_regs[i] + b_regs[i])

        writes = []
        for j in range(NCH):
            gathers[j].wait()
            plsc.parallel_loop(j * _CHUNK, (j + 1) * _CHUNK,
                               unroll=1)(row_body)
            writes.append(
                pltpu.async_copy(rows_v.at[pl.ds(j * _CHUNK, _CHUNK)],
                                 out_hbm.at[pl.ds(base + j * _CHUNK, _CHUNK)],
                                 out_sem))
        for w in writes:
            w.wait()

    out = emb_kernel(ids3, token_table, pos_table, gamma, beta)
    return out.reshape(B, S, D)

# --- scband reference (transcript-rebuilt; emitter-appended) ---
"""Pipeline reference for scband-embeddings-7017976561974 (READ-ONLY COPY).

The authoritative reference and input builder live on the scoring server;
editing this copy changes nothing except your own understanding.
"""

import jax, jax.numpy as jnp
import numpy as np

VOCAB = 100000
HIDDEN = 128
MAX_POS = 2048
EPS = 1e-12
B, S = 4, 2048


def setup_inputs(seed: int = 0) -> dict:
    key = jax.random.key(seed)
    k1, k2, k3 = jax.random.split(key, 3)
    input_ids = jax.random.randint(k1, (B, S), 0, VOCAB, dtype=jnp.int64 if jax.config.jax_enable_x64 else jnp.int32)
    token_table = jax.random.normal(k2, (VOCAB, HIDDEN), dtype=jnp.float32)
    pos_table = jax.random.normal(k3, (MAX_POS, HIDDEN), dtype=jnp.float32)
    gamma = jnp.ones((HIDDEN,), dtype=jnp.float32)
    beta = jnp.zeros((HIDDEN,), dtype=jnp.float32)
    return {"input_ids": input_ids, "token_table": token_table, "pos_table": pos_table, "gamma": gamma, "beta": beta}


def _layer_norm(x, gamma, beta, eps):
    mean = jnp.mean(x, axis=-1, keepdims=True)
    var = jnp.mean(jnp.square(x - mean), axis=-1, keepdims=True)
    xhat = (x - mean) / jnp.sqrt(var + eps)
    return xhat * gamma + beta


def reference(input_ids, token_table, pos_table, gamma, beta):
    seq_length = input_ids.shape[1]
    position_ids = jnp.arange(seq_length)[None, :]
    token_embeddings = jnp.take(token_table, input_ids, axis=0)
    position_embeddings = jnp.take(pos_table, position_ids, axis=0)
    embeddings = token_embeddings + position_embeddings
    embeddings = _layer_norm(embeddings, gamma, beta, EPS)
    # dropout with p=0.0 / eval mode -> identity
    return embeddings

if __name__ == "__main__":
    import jax
    _d = setup_inputs()
    print(jax.jit(kernel)(*tuple(_d.values())))

</pallas_src>

<mosaic_0001>
#map = affine_map<(d0, d1) -> (0, 0, 0)>
#map1 = affine_map<(d0, d1) -> (0, 0)>
#map2 = affine_map<(d0, d1) -> (0)>
module attributes {stable_mosaic.version = 14 : i64} {
  func.func @emb_kernel(%arg0: i32, %arg1: i32, %arg2: memref<32x2x128xi32, #tpu.memory_space<hbm>>, %arg3: memref<100000x128xf32, #tpu.memory_space<hbm>>, %arg4: memref<2048x128xf32, #tpu.memory_space<hbm>>, %arg5: memref<128xf32, #tpu.memory_space<hbm>>, %arg6: memref<128xf32, #tpu.memory_space<hbm>>, %arg7: memref<8192x128xf32, #tpu.memory_space<hbm>>, %arg8: memref<2x128xi32, #tpu.memory_space<vmem>>, %arg9: memref<256x128xf32, #tpu.memory_space<vmem>>, %arg10: memref<128xf32, #tpu.memory_space<vmem>>, %arg11: memref<128xf32, #tpu.memory_space<vmem>>, %arg12: memref<!tpu.dma_semaphore, #tpu.memory_space<semaphore_mem>>, %arg13: memref<!tpu.dma_semaphore, #tpu.memory_space<semaphore_mem>>, %arg14: memref<!tpu.dma_semaphore, #tpu.memory_space<semaphore_mem>>, %arg15: memref<!tpu.dma_semaphore, #tpu.memory_space<semaphore_mem>>) attributes {dimension_semantics = [#tpu.dimension_semantics<core_parallel>, #tpu.dimension_semantics<subcore_parallel>], iteration_bounds = array<i64: 2, 16>, scalar_prefetch = 0 : i64, scratch_operands = 8 : i64, tpu.core_type = #tpu.core_type<sc_vector_subcore>, window_params = [{transform_indices = #map}, {transform_indices = #map1}, {transform_indices = #map1}, {transform_indices = #map2}, {transform_indices = #map2}, {transform_indices = #map1}]} {
    %mul3A = arith.constant 2 : i32
    %mul3A_0 = arith.muli %arg1, %mul3A : i32
    %add3A = arith.addi %mul3A_0, %arg0 : i32
    %mul3A_1 = arith.constant 256 : i32
    %mul3A_2 = arith.muli %add3A, %mul3A_1 : i32
    %dma_start3A = arith.constant 0 : i32
    %dma_start3A_3 = arith.constant 0 : i32
    %dma_start3A_4 = tpu.memref_slice %arg2[%add3A, %dma_start3A, %dma_start3A_3] : memref<32x2x128xi32, #tpu.memory_space<hbm>> -> memref<1x2x128xi32, #tpu.memory_space<hbm>>
    %dma_start3A_5 = tpu.memref_squeeze %dma_start3A_4 : memref<1x2x128xi32, #tpu.memory_space<hbm>> -> memref<2x128xi32, #tpu.memory_space<hbm>>
    %dma_start3A_6 = arith.constant 0 : i32
    %dma_start3A_7 = arith.constant 0 : i32
    %dma_start3A_8 = tpu.memref_slice %arg2[%add3A, %dma_start3A_6, %dma_start3A_7] : memref<32x2x128xi32, #tpu.memory_space<hbm>> -> memref<1x2x128xi32, #tpu.memory_space<hbm>>
    %dma_start3A_9 = tpu.memref_squeeze %dma_start3A_8 : memref<1x2x128xi32, #tpu.memory_space<hbm>> -> memref<2x128xi32, #tpu.memory_space<hbm>>
    tpu.enqueue_dma source(%dma_start3A_9 : memref<2x128xi32, #tpu.memory_space<hbm>>) target(%arg8 : memref<2x128xi32, #tpu.memory_space<vmem>>) target_semaphore(%arg14 : memref<!tpu.dma_semaphore, #tpu.memory_space<semaphore_mem>>)
    tpu.enqueue_dma source(%arg5 : memref<128xf32, #tpu.memory_space<hbm>>) target(%arg10 : memref<128xf32, #tpu.memory_space<vmem>>) target_semaphore(%arg14 : memref<!tpu.dma_semaphore, #tpu.memory_space<semaphore_mem>>)
    tpu.enqueue_dma source(%arg6 : memref<128xf32, #tpu.memory_space<hbm>>) target(%arg11 : memref<128xf32, #tpu.memory_space<vmem>>) target_semaphore(%arg14 : memref<!tpu.dma_semaphore, #tpu.memory_space<semaphore_mem>>)
    %rem3A = arith.constant 2048 : i32
    %rem3A_10 = arith.remsi %mul3A_2, %rem3A : i32
    %add3A_11 = arith.constant 0 : i32
    %add3A_12 = arith.addi %rem3A_10, %add3A_11 : i32
    "tpu.region"() ({
      %run_scoped3A = tpu.sem_alloc : memref<!tpu.dma_semaphore, #tpu.memory_space<semaphore_mem>>
      %dma_start3A_174 = arith.constant 0 : i32
      %dma_start3A_175 = arith.constant 0 : i32
      %dma_start3A_176 = tpu.memref_slice %arg9[%dma_start3A_174, %dma_start3A_175] : memref<256x128xf32, #tpu.memory_space<vmem>> -> memref<128x128xf32, #tpu.memory_space<vmem>>
      %dma_start3A_177 = arith.constant 0 : i32
      %dma_start3A_178 = tpu.memref_slice %arg4[%add3A_12, %dma_start3A_177] : memref<2048x128xf32, #tpu.memory_space<hbm>> -> memref<128x128xf32, #tpu.memory_space<hbm>>
      %dma_start3A_179 = arith.constant 0 : i32
      %dma_start3A_180 = arith.constant 0 : i32
      %dma_start3A_181 = tpu.memref_slice %arg9[%dma_start3A_179, %dma_start3A_180] : memref<256x128xf32, #tpu.memory_space<vmem>> -> memref<128x128xf32, #tpu.memory_space<vmem>>
      %dma_start3A_182 = arith.constant 0 : i32
      %dma_start3A_183 = tpu.memref_slice %arg4[%add3A_12, %dma_start3A_182] : memref<2048x128xf32, #tpu.memory_space<hbm>> -> memref<128x128xf32, #tpu.memory_space<hbm>>
      tpu.enqueue_dma source(%dma_start3A_183 : memref<128x128xf32, #tpu.memory_space<hbm>>) target(%dma_start3A_181 : memref<128x128xf32, #tpu.memory_space<vmem>>) target_semaphore(%run_scoped3A : memref<!tpu.dma_semaphore, #tpu.memory_space<semaphore_mem>>)
      %dma_wait3A_184 = arith.constant 0 : i32
      %dma_wait3A_185 = arith.constant 0 : i32
      %dma_wait3A_186 = tpu.memref_slice %arg9[%dma_wait3A_184, %dma_wait3A_185] : memref<256x128xf32, #tpu.memory_space<vmem>> -> memref<128x128xf32, #tpu.memory_space<vmem>>
      %dma_wait3A_187 = arith.constant 0 : i32
      %dma_wait3A_188 = tpu.memref_slice %arg4[%add3A_12, %dma_wait3A_187] : memref<2048x128xf32, #tpu.memory_space<hbm>> -> memref<128x128xf32, #tpu.memory_space<hbm>>
      %dma_wait3A_189 = arith.constant 0 : i32
      %dma_wait3A_190 = arith.constant 0 : i32
      %dma_wait3A_191 = tpu.memref_slice %arg9[%dma_wait3A_189, %dma_wait3A_190] : memref<256x128xf32, #tpu.memory_space<vmem>> -> memref<128x128xf32, #tpu.memory_space<vmem>>
      %dma_wait3A_192 = arith.constant 0 : i32
      %dma_wait3A_193 = tpu.memref_slice %arg4[%add3A_12, %dma_wait3A_192] : memref<2048x128xf32, #tpu.memory_space<hbm>> -> memref<128x128xf32, #tpu.memory_space<hbm>>
      tpu.wait_dma2 semaphore(%run_scoped3A : memref<!tpu.dma_semaphore, #tpu.memory_space<semaphore_mem>>) src(%dma_wait3A_193 : memref<128x128xf32, #tpu.memory_space<hbm>>) dst(%dma_wait3A_191 : memref<128x128xf32, #tpu.memory_space<vmem>>)
      tpu.yield
    }) : () -> ()
    %dma_wait3A = arith.constant 0 : i32
    %dma_wait3A_13 = arith.constant 0 : i32
    %dma_wait3A_14 = tpu.memref_slice %arg2[%add3A, %dma_wait3A, %dma_wait3A_13] : memref<32x2x128xi32, #tpu.memory_space<hbm>> -> memref<1x2x128xi32, #tpu.memory_space<hbm>>
    %dma_wait3A_15 = tpu.memref_squeeze %dma_wait3A_14 : memref<1x2x128xi32, #tpu.memory_space<hbm>> -> memref<2x128xi32, #tpu.memory_space<hbm>>
    %dma_wait3A_16 = arith.constant 0 : i32
    %dma_wait3A_17 = arith.constant 0 : i32
    %dma_wait3A_18 = tpu.memref_slice %arg2[%add3A, %dma_wait3A_16, %dma_wait3A_17] : memref<32x2x128xi32, #tpu.memory_space<hbm>> -> memref<1x2x128xi32, #tpu.memory_space<hbm>>
    %dma_wait3A_19 = tpu.memref_squeeze %dma_wait3A_18 : memref<1x2x128xi32, #tpu.memory_space<hbm>> -> memref<2x128xi32, #tpu.memory_space<hbm>>
    tpu.wait_dma2 semaphore(%arg14 : memref<!tpu.dma_semaphore, #tpu.memory_space<semaphore_mem>>) src(%dma_wait3A_19 : memref<2x128xi32, #tpu.memory_space<hbm>>) dst(%arg8 : memref<2x128xi32, #tpu.memory_space<vmem>>)
    tpu.wait_dma2 semaphore(%arg14 : memref<!tpu.dma_semaphore, #tpu.memory_space<semaphore_mem>>) src(%arg5 : memref<128xf32, #tpu.memory_space<hbm>>) dst(%arg10 : memref<128xf32, #tpu.memory_space<vmem>>)
    tpu.wait_dma2 semaphore(%arg14 : memref<!tpu.dma_semaphore, #tpu.memory_space<semaphore_mem>>) src(%arg6 : memref<128xf32, #tpu.memory_space<hbm>>) dst(%arg11 : memref<128xf32, #tpu.memory_space<vmem>>)
    %dma_start3A_20 = arith.constant 0 : i32
    %dma_start3A_21 = arith.constant 0 : i32
    %dma_start3A_22 = arith.constant 0 : i32
    %dma_start3A_23 = tpu.memref_slice %arg9[%dma_start3A_21, %dma_start3A_22] : memref<256x128xf32, #tpu.memory_space<vmem>> -> memref<128x128xf32, #tpu.memory_space<vmem>>
    %dma_start3A_24 = arith.constant 0 : i32
    %dma_start3A_25 = tpu.memref_slice %arg8[%dma_start3A_20, %dma_start3A_24] : memref<2x128xi32, #tpu.memory_space<vmem>> -> memref<1x128xi32, #tpu.memory_space<vmem>>
    %dma_start3A_26 = tpu.memref_squeeze %dma_start3A_25 : memref<1x128xi32, #tpu.memory_space<vmem>> -> memref<128xi32, #tpu.memory_space<vmem>>
    %dma_start3A_27 = arith.constant 0 : i32
    %dma_start3A_28 = arith.constant 0 : i32
    %dma_start3A_29 = tpu.memref_slice %arg3[%dma_start3A_27, %dma_start3A_28] : memref<100000x128xf32, #tpu.memory_space<hbm>> -> memref<100000x128xf32, #tpu.memory_space<hbm>>
    tpu.enqueue_indirect_dma source(%dma_start3A_29 : memref<100000x128xf32, #tpu.memory_space<hbm>>) target(%dma_start3A_23 : memref<128x128xf32, #tpu.memory_space<vmem>>) offsets(%dma_start3A_26 : memref<128xi32, #tpu.memory_space<vmem>>) semaphore(%arg12 : memref<!tpu.dma_semaphore, #tpu.memory_space<semaphore_mem>>) {add = true}
    %add3A_30 = arith.constant 128 : i32
    %add3A_31 = arith.addi %rem3A_10, %add3A_30 : i32
    "tpu.region"() ({
      %run_scoped3A = tpu.sem_alloc : memref<!tpu.dma_semaphore, #tpu.memory_space<semaphore_mem>>
      %dma_start3A_174 = arith.constant 128 : i32
      %dma_start3A_175 = arith.constant 0 : i32
      %dma_start3A_176 = tpu.memref_slice %arg9[%dma_start3A_174, %dma_start3A_175] : memref<256x128xf32, #tpu.memory_space<vmem>> -> memref<128x128xf32, #tpu.memory_space<vmem>>
      %dma_start3A_177 = arith.constant 0 : i32
      %dma_start3A_178 = tpu.memref_slice %arg4[%add3A_31, %dma_start3A_177] : memref<2048x128xf32, #tpu.memory_space<hbm>> -> memref<128x128xf32, #tpu.memory_space<hbm>>
      %dma_start3A_179 = arith.constant 128 : i32
      %dma_start3A_180 = arith.constant 0 : i32
      %dma_start3A_181 = tpu.memref_slice %arg9[%dma_start3A_179, %dma_start3A_180] : memref<256x128xf32, #tpu.memory_space<vmem>> -> memref<128x128xf32, #tpu.memory_space<vmem>>
      %dma_start3A_182 = arith.constant 0 : i32
      %dma_start3A_183 = tpu.memref_slice %arg4[%add3A_31, %dma_start3A_182] : memref<2048x128xf32, #tpu.memory_space<hbm>> -> memref<128x128xf32, #tpu.memory_space<hbm>>
      tpu.enqueue_dma source(%dma_start3A_183 : memref<128x128xf32, #tpu.memory_space<hbm>>) target(%dma_start3A_181 : memref<128x128xf32, #tpu.memory_space<vmem>>) target_semaphore(%run_scoped3A : memref<!tpu.dma_semaphore, #tpu.memory_space<semaphore_mem>>)
      %dma_wait3A_184 = arith.constant 128 : i32
      %dma_wait3A_185 = arith.constant 0 : i32
      %dma_wait3A_186 = tpu.memref_slice %arg9[%dma_wait3A_184, %dma_wait3A_185] : memref<256x128xf32, #tpu.memory_space<vmem>> -> memref<128x128xf32, #tpu.memory_space<vmem>>
      %dma_wait3A_187 = arith.constant 0 : i32
      %dma_wait3A_188 = tpu.memref_slice %arg4[%add3A_31, %dma_wait3A_187] : memref<2048x128xf32, #tpu.memory_space<hbm>> -> memref<128x128xf32, #tpu.memory_space<hbm>>
      %dma_wait3A_189 = arith.constant 128 : i32
      %dma_wait3A_190 = arith.constant 0 : i32
      %dma_wait3A_191 = tpu.memref_slice %arg9[%dma_wait3A_189, %dma_wait3A_190] : memref<256x128xf32, #tpu.memory_space<vmem>> -> memref<128x128xf32, #tpu.memory_space<vmem>>
      %dma_wait3A_192 = arith.constant 0 : i32
      %dma_wait3A_193 = tpu.memref_slice %arg4[%add3A_31, %dma_wait3A_192] : memref<2048x128xf32, #tpu.memory_space<hbm>> -> memref<128x128xf32, #tpu.memory_space<hbm>>
      tpu.wait_dma2 semaphore(%run_scoped3A : memref<!tpu.dma_semaphore, #tpu.memory_space<semaphore_mem>>) src(%dma_wait3A_193 : memref<128x128xf32, #tpu.memory_space<hbm>>) dst(%dma_wait3A_191 : memref<128x128xf32, #tpu.memory_space<vmem>>)
      tpu.yield
    }) : () -> ()
    %dma_start3A_32 = arith.constant 1 : i32
    %dma_start3A_33 = arith.constant 128 : i32
    %dma_start3A_34 = arith.constant 0 : i32
    %dma_start3A_35 = tpu.memref_slice %arg9[%dma_start3A_33, %dma_start3A_34] : memref<256x128xf32, #tpu.memory_space<vmem>> -> memref<128x128xf32, #tpu.memory_space<vmem>>
    %dma_start3A_36 = arith.constant 0 : i32
    %dma_start3A_37 = tpu.memref_slice %arg8[%dma_start3A_32, %dma_start3A_36] : memref<2x128xi32, #tpu.memory_space<vmem>> -> memref<1x128xi32, #tpu.memory_space<vmem>>
    %dma_start3A_38 = tpu.memref_squeeze %dma_start3A_37 : memref<1x128xi32, #tpu.memory_space<vmem>> -> memref<128xi32, #tpu.memory_space<vmem>>
    %dma_start3A_39 = arith.constant 0 : i32
    %dma_start3A_40 = arith.constant 0 : i32
    %dma_start3A_41 = tpu.memref_slice %arg3[%dma_start3A_39, %dma_start3A_40] : memref<100000x128xf32, #tpu.memory_space<hbm>> -> memref<100000x128xf32, #tpu.memory_space<hbm>>
    tpu.enqueue_indirect_dma source(%dma_start3A_41 : memref<100000x128xf32, #tpu.memory_space<hbm>>) target(%dma_start3A_35 : memref<128x128xf32, #tpu.memory_space<vmem>>) offsets(%dma_start3A_38 : memref<128xi32, #tpu.memory_space<vmem>>) semaphore(%arg13 : memref<!tpu.dma_semaphore, #tpu.memory_space<semaphore_mem>>) {add = true}
    %get3A = arith.constant 0 : index
    %get3A_42 = tpu.vector_load %arg10[%get3A] {strides = array<i32>} : memref<128xf32, #tpu.memory_space<vmem>>, vector<16xf32>,
    %get3A_43 = vector.shape_cast %get3A_42 : vector<16xf32> to vector<16xf32>
    %get3A_44 = arith.constant 16 : index
    %get3A_45 = tpu.vector_load %arg10[%get3A_44] {strides = array<i32>} : memref<128xf32, #tpu.memory_space<vmem>>, vector<16xf32>,
    %get3A_46 = vector.shape_cast %get3A_45 : vector<16xf32> to vector<16xf32>
    %get3A_47 = arith.constant 32 : index
    %get3A_48 = tpu.vector_load %arg10[%get3A_47] {strides = array<i32>} : memref<128xf32, #tpu.memory_space<vmem>>, vector<16xf32>,
    %get3A_49 = vector.shape_cast %get3A_48 : vector<16xf32> to vector<16xf32>
    %get3A_50 = arith.constant 48 : index
    %get3A_51 = tpu.vector_load %arg10[%get3A_50] {strides = array<i32>} : memref<128xf32, #tpu.memory_space<vmem>>, vector<16xf32>,
    %get3A_52 = vector.shape_cast %get3A_51 : vector<16xf32> to vector<16xf32>
    %get3A_53 = arith.constant 64 : index
    %get3A_54 = tpu.vector_load %arg10[%get3A_53] {strides = array<i32>} : memref<128xf32, #tpu.memory_space<vmem>>, vector<16xf32>,
    %get3A_55 = vector.shape_cast %get3A_54 : vector<16xf32> to vector<16xf32>
    %get3A_56 = arith.constant 80 : index
    %get3A_57 = tpu.vector_load %arg10[%get3A_56] {strides = array<i32>} : memref<128xf32, #tpu.memory_space<vmem>>, vector<16xf32>,
    %get3A_58 = vector.shape_cast %get3A_57 : vector<16xf32> to vector<16xf32>
    %get3A_59 = arith.constant 96 : index
    %get3A_60 = tpu.vector_load %arg10[%get3A_59] {strides = array<i32>} : memref<128xf32, #tpu.memory_space<vmem>>, vector<16xf32>,
    %get3A_61 = vector.shape_cast %get3A_60 : vector<16xf32> to vector<16xf32>
    %get3A_62 = arith.constant 112 : index
    %get3A_63 = tpu.vector_load %arg10[%get3A_62] {strides = array<i32>} : memref<128xf32, #tpu.memory_space<vmem>>, vector<16xf32>,
    %get3A_64 = vector.shape_cast %get3A_63 : vector<16xf32> to vector<16xf32>
    %get3A_65 = arith.constant 0 : index
    %get3A_66 = tpu.vector_load %arg11[%get3A_65] {strides = array<i32>} : memref<128xf32, #tpu.memory_space<vmem>>, vector<16xf32>,
    %get3A_67 = vector.shape_cast %get3A_66 : vector<16xf32> to vector<16xf32>
    %get3A_68 = arith.constant 16 : index
    %get3A_69 = tpu.vector_load %arg11[%get3A_68] {strides = array<i32>} : memref<128xf32, #tpu.memory_space<vmem>>, vector<16xf32>,
    %get3A_70 = vector.shape_cast %get3A_69 : vector<16xf32> to vector<16xf32>
    %get3A_71 = arith.constant 32 : index
    %get3A_72 = tpu.vector_load %arg11[%get3A_71] {strides = array<i32>} : memref<128xf32, #tpu.memory_space<vmem>>, vector<16xf32>,
    %get3A_73 = vector.shape_cast %get3A_72 : vector<16xf32> to vector<16xf32>
    %get3A_74 = arith.constant 48 : index
    %get3A_75 = tpu.vector_load %arg11[%get3A_74] {strides = array<i32>} : memref<128xf32, #tpu.memory_space<vmem>>, vector<16xf32>,
    %get3A_76 = vector.shape_cast %get3A_75 : vector<16xf32> to vector<16xf32>
    %get3A_77 = arith.constant 64 : index
    %get3A_78 = tpu.vector_load %arg11[%get3A_77] {strides = array<i32>} : memref<128xf32, #tpu.memory_space<vmem>>, vector<16xf32>,
    %get3A_79 = vector.shape_cast %get3A_78 : vector<16xf32> to vector<16xf32>
    %get3A_80 = arith.constant 80 : index
    %get3A_81 = tpu.vector_load %arg11[%get3A_80] {strides = array<i32>} : memref<128xf32, #tpu.memory_space<vmem>>, vector<16xf32>,
    %get3A_82 = vector.shape_cast %get3A_81 : vector<16xf32> to vector<16xf32>
    %get3A_83 = arith.constant 96 : index
    %get3A_84 = tpu.vector_load %arg11[%get3A_83] {strides = array<i32>} : memref<128xf32, #tpu.memory_space<vmem>>, vector<16xf32>,
    %get3A_85 = vector.shape_cast %get3A_84 : vector<16xf32> to vector<16xf32>
    %get3A_86 = arith.constant 112 : index
    %get3A_87 = tpu.vector_load %arg11[%get3A_86] {strides = array<i32>} : memref<128xf32, #tpu.memory_space<vmem>>, vector<16xf32>,
    %get3A_88 = vector.shape_cast %get3A_87 : vector<16xf32> to vector<16xf32>
    %iota3A = tpu.iota {dimensions = array<i32: 0>} : vector<16xi32>
    %xor3A = arith.constant 8 : i32
    %xor3A_89 = vector.broadcast %xor3A : i32 to vector<16xi32>
    %xor3A_90 = arith.xori %iota3A, %xor3A_89 : vector<16xi32>
    %broadcast_in_dim3A = vector.shape_cast %xor3A_90 : vector<16xi32> to vector<16x1xi32>
    %xor3A_91 = arith.constant 4 : i32
    %xor3A_92 = vector.broadcast %xor3A_91 : i32 to vector<16xi32>
    %xor3A_93 = arith.xori %iota3A, %xor3A_92 : vector<16xi32>
    %broadcast_in_dim3A_94 = vector.shape_cast %xor3A_93 : vector<16xi32> to vector<16x1xi32>
    %xor3A_95 = arith.constant 2 : i32
    %xor3A_96 = vector.broadcast %xor3A_95 : i32 to vector<16xi32>
    %xor3A_97 = arith.xori %iota3A, %xor3A_96 : vector<16xi32>
    %broadcast_in_dim3A_98 = vector.shape_cast %xor3A_97 : vector<16xi32> to vector<16x1xi32>
    %xor3A_99 = arith.constant 1 : i32
    %xor3A_100 = vector.broadcast %xor3A_99 : i32 to vector<16xi32>
    %xor3A_101 = arith.xori %iota3A, %xor3A_100 : vector<16xi32>
    %broadcast_in_dim3A_102 = vector.shape_cast %xor3A_101 : vector<16xi32> to vector<16x1xi32>
    %dma_wait3A_103 = arith.constant 0 : i32
    %dma_wait3A_104 = arith.constant 0 : i32
    %dma_wait3A_105 = arith.constant 0 : i32
    %dma_wait3A_106 = tpu.memref_slice %arg9[%dma_wait3A_104, %dma_wait3A_105] : memref<256x128xf32, #tpu.memory_space<vmem>> -> memref<128x128xf32, #tpu.memory_space<vmem>>
    %dma_wait3A_107 = arith.constant 0 : i32
    %dma_wait3A_108 = tpu.memref_slice %arg8[%dma_wait3A_103, %dma_wait3A_107] : memref<2x128xi32, #tpu.memory_space<vmem>> -> memref<1x128xi32, #tpu.memory_space<vmem>>
    %dma_wait3A_109 = tpu.memref_squeeze %dma_wait3A_108 : memref<1x128xi32, #tpu.memory_space<vmem>> -> memref<128xi32, #tpu.memory_space<vmem>>
    %dma_wait3A_110 = arith.constant 0 : i32
    %dma_wait3A_111 = arith.constant 0 : i32
    %dma_wait3A_112 = tpu.memref_slice %arg3[%dma_wait3A_110, %dma_wait3A_111] : memref<100000x128xf32, #tpu.memory_space<hbm>> -> memref<100000x128xf32, #tpu.memory_space<hbm>>
    tpu.wait_indirect_dma semaphore(%arg12 : memref<!tpu.dma_semaphore, #tpu.memory_space<semaphore_mem>>) src(%dma_wait3A_112 : memref<100000x128xf32, #tpu.memory_space<hbm>>) dst(%dma_wait3A_106 : memref<128x128xf32, #tpu.memory_space<vmem>>)
    %parallel_loop3A = arith.constant 0 : i32
    %parallel_loop3A_113 = arith.constant 128 : i32
    %parallel_loop3A_114 = arith.constant 1 : i32
    %parallel_loop3A_115 = arith.constant 7.812500e-03 : f32
    scf.for %parallel_loop3A_174 = %parallel_loop3A to %parallel_loop3A_113 step %parallel_loop3A_114  : i32 {
      %parallel_loop3A_175 = arith.index_cast %parallel_loop3A_174 : i32 to index
      %parallel_loop3A_176 = arith.constant 0 : index
      %parallel_loop3A_177 = tpu.vector_load %arg9[%parallel_loop3A_175, %parallel_loop3A_176] {strides = array<i32>} : memref<256x128xf32, #tpu.memory_space<vmem>>, vector<1x16xf32>,
      %parallel_loop3A_178 = vector.shape_cast %parallel_loop3A_177 : vector<1x16xf32> to vector<16xf32>
      %parallel_loop3A_179 = arith.index_cast %parallel_loop3A_174 : i32 to index
      %parallel_loop3A_180 = arith.constant 16 : index
      %parallel_loop3A_181 = tpu.vector_load %arg9[%parallel_loop3A_179, %parallel_loop3A_180] {strides = array<i32>} : memref<256x128xf32, #tpu.memory_space<vmem>>, vector<1x16xf32>,
      %parallel_loop3A_182 = vector.shape_cast %parallel_loop3A_181 : vector<1x16xf32> to vector<16xf32>
      %parallel_loop3A_183 = arith.index_cast %parallel_loop3A_174 : i32 to index
      %parallel_loop3A_184 = arith.constant 32 : index
      %parallel_loop3A_185 = tpu.vector_load %arg9[%parallel_loop3A_183, %parallel_loop3A_184] {strides = array<i32>} : memref<256x128xf32, #tpu.memory_space<vmem>>, vector<1x16xf32>,
      %parallel_loop3A_186 = vector.shape_cast %parallel_loop3A_185 : vector<1x16xf32> to vector<16xf32>
      %parallel_loop3A_187 = arith.index_cast %parallel_loop3A_174 : i32 to index
      %parallel_loop3A_188 = arith.constant 48 : index
      %parallel_loop3A_189 = tpu.vector_load %arg9[%parallel_loop3A_187, %parallel_loop3A_188] {strides = array<i32>} : memref<256x128xf32, #tpu.memory_space<vmem>>, vector<1x16xf32>,
      %parallel_loop3A_190 = vector.shape_cast %parallel_loop3A_189 : vector<1x16xf32> to vector<16xf32>
      %parallel_loop3A_191 = arith.index_cast %parallel_loop3A_174 : i32 to index
      %parallel_loop3A_192 = arith.constant 64 : index
      %parallel_loop3A_193 = tpu.vector_load %arg9[%parallel_loop3A_191, %parallel_loop3A_192] {strides = array<i32>} : memref<256x128xf32, #tpu.memory_space<vmem>>, vector<1x16xf32>,
      %parallel_loop3A_194 = vector.shape_cast %parallel_loop3A_193 : vector<1x16xf32> to vector<16xf32>
      %parallel_loop3A_195 = arith.index_cast %parallel_loop3A_174 : i32 to index
      %parallel_loop3A_196 = arith.constant 80 : index
      %parallel_loop3A_197 = tpu.vector_load %arg9[%parallel_loop3A_195, %parallel_loop3A_196] {strides = array<i32>} : memref<256x128xf32, #tpu.memory_space<vmem>>, vector<1x16xf32>,
      %parallel_loop3A_198 = vector.shape_cast %parallel_loop3A_197 : vector<1x16xf32> to vector<16xf32>
      %parallel_loop3A_199 = arith.index_cast %parallel_loop3A_174 : i32 to index
      %parallel_loop3A_200 = arith.constant 96 : index
      %parallel_loop3A_201 = tpu.vector_load %arg9[%parallel_loop3A_199, %parallel_loop3A_200] {strides = array<i32>} : memref<256x128xf32, #tpu.memory_space<vmem>>, vector<1x16xf32>,
      %parallel_loop3A_202 = vector.shape_cast %parallel_loop3A_201 : vector<1x16xf32> to vector<16xf32>
      %parallel_loop3A_203 = arith.index_cast %parallel_loop3A_174 : i32 to index
      %parallel_loop3A_204 = arith.constant 112 : index
      %parallel_loop3A_205 = tpu.vector_load %arg9[%parallel_loop3A_203, %parallel_loop3A_204] {strides = array<i32>} : memref<256x128xf32, #tpu.memory_space<vmem>>, vector<1x16xf32>,
      %parallel_loop3A_206 = vector.shape_cast %parallel_loop3A_205 : vector<1x16xf32> to vector<16xf32>
      %parallel_loop3A_207 = arith.addf %parallel_loop3A_178, %parallel_loop3A_182 : vector<16xf32>
      %parallel_loop3A_208 = arith.addf %parallel_loop3A_186, %parallel_loop3A_190 : vector<16xf32>
      %parallel_loop3A_209 = arith.addf %parallel_loop3A_194, %parallel_loop3A_198 : vector<16xf32>
      %parallel_loop3A_210 = arith.addf %parallel_loop3A_202, %parallel_loop3A_206 : vector<16xf32>
      %parallel_loop3A_211 = arith.addf %parallel_loop3A_207, %parallel_loop3A_208 : vector<16xf32>
      %parallel_loop3A_212 = arith.addf %parallel_loop3A_209, %parallel_loop3A_210 : vector<16xf32>
      %parallel_loop3A_213 = arith.addf %parallel_loop3A_211, %parallel_loop3A_212 : vector<16xf32>
      %parallel_loop3A_214 = vector.shape_cast %broadcast_in_dim3A : vector<16x1xi32> to vector<16xi32>
      %parallel_loop3A_215 = tpu.dynamic_gather %parallel_loop3A_213[%parallel_loop3A_214] in [0] : vector<16xf32>, vector<16xi32> -> vector<16xf32>
      %parallel_loop3A_216 = arith.addf %parallel_loop3A_213, %parallel_loop3A_215 : vector<16xf32>
      %parallel_loop3A_217 = vector.shape_cast %broadcast_in_dim3A_94 : vector<16x1xi32> to vector<16xi32>
      %parallel_loop3A_218 = tpu.dynamic_gather %parallel_loop3A_216[%parallel_loop3A_217] in [0] : vector<16xf32>, vector<16xi32> -> vector<16xf32>
      %parallel_loop3A_219 = arith.addf %parallel_loop3A_216, %parallel_loop3A_218 : vector<16xf32>
      %parallel_loop3A_220 = vector.shape_cast %broadcast_in_dim3A_98 : vector<16x1xi32> to vector<16xi32>
      %parallel_loop3A_221 = tpu.dynamic_gather %parallel_loop3A_219[%parallel_loop3A_220] in [0] : vector<16xf32>, vector<16xi32> -> vector<16xf32>
      %parallel_loop3A_222 = arith.addf %parallel_loop3A_219, %parallel_loop3A_221 : vector<16xf32>
      %parallel_loop3A_223 = vector.shape_cast %broadcast_in_dim3A_102 : vector<16x1xi32> to vector<16xi32>
      %parallel_loop3A_224 = tpu.dynamic_gather %parallel_loop3A_222[%parallel_loop3A_223] in [0] : vector<16xf32>, vector<16xi32> -> vector<16xf32>
      %parallel_loop3A_225 = arith.addf %parallel_loop3A_222, %parallel_loop3A_224 : vector<16xf32>
      %parallel_loop3A_226 = vector.broadcast %parallel_loop3A_115 : f32 to vector<16xf32>
      %parallel_loop3A_227 = arith.mulf %parallel_loop3A_225, %parallel_loop3A_226 : vector<16xf32>
      %parallel_loop3A_228 = arith.mulf %parallel_loop3A_178, %parallel_loop3A_178 : vector<16xf32>
      %parallel_loop3A_229 = arith.mulf %parallel_loop3A_182, %parallel_loop3A_182 : vector<16xf32>
      %parallel_loop3A_230 = arith.mulf %parallel_loop3A_186, %parallel_loop3A_186 : vector<16xf32>
      %parallel_loop3A_231 = arith.mulf %parallel_loop3A_190, %parallel_loop3A_190 : vector<16xf32>
      %parallel_loop3A_232 = arith.mulf %parallel_loop3A_194, %parallel_loop3A_194 : vector<16xf32>
      %parallel_loop3A_233 = arith.mulf %parallel_loop3A_198, %parallel_loop3A_198 : vector<16xf32>
      %parallel_loop3A_234 = arith.mulf %parallel_loop3A_202, %parallel_loop3A_202 : vector<16xf32>
      %parallel_loop3A_235 = arith.mulf %parallel_loop3A_206, %parallel_loop3A_206 : vector<16xf32>
      %parallel_loop3A_236 = arith.addf %parallel_loop3A_228, %parallel_loop3A_229 : vector<16xf32>
      %parallel_loop3A_237 = arith.addf %parallel_loop3A_230, %parallel_loop3A_231 : vector<16xf32>
      %parallel_loop3A_238 = arith.addf %parallel_loop3A_232, %parallel_loop3A_233 : vector<16xf32>
      %parallel_loop3A_239 = arith.addf %parallel_loop3A_234, %parallel_loop3A_235 : vector<16xf32>
      %parallel_loop3A_240 = arith.addf %parallel_loop3A_236, %parallel_loop3A_237 : vector<16xf32>
      %parallel_loop3A_241 = arith.addf %parallel_loop3A_238, %parallel_loop3A_239 : vector<16xf32>
      %parallel_loop3A_242 = arith.addf %parallel_loop3A_240, %parallel_loop3A_241 : vector<16xf32>
      %parallel_loop3A_243 = vector.shape_cast %broadcast_in_dim3A : vector<16x1xi32> to vector<16xi32>
      %parallel_loop3A_244 = tpu.dynamic_gather %parallel_loop3A_242[%parallel_loop3A_243] in [0] : vector<16xf32>, vector<16xi32> -> vector<16xf32>
      %parallel_loop3A_245 = arith.addf %parallel_loop3A_242, %parallel_loop3A_244 : vector<16xf32>
      %parallel_loop3A_246 = vector.shape_cast %broadcast_in_dim3A_94 : vector<16x1xi32> to vector<16xi32>
      %parallel_loop3A_247 = tpu.dynamic_gather %parallel_loop3A_245[%parallel_loop3A_246] in [0] : vector<16xf32>, vector<16xi32> -> vector<16xf32>
      %parallel_loop3A_248 = arith.addf %parallel_loop3A_245, %parallel_loop3A_247 : vector<16xf32>
      %parallel_loop3A_249 = vector.shape_cast %broadcast_in_dim3A_98 : vector<16x1xi32> to vector<16xi32>
      %parallel_loop3A_250 = tpu.dynamic_gather %parallel_loop3A_248[%parallel_loop3A_249] in [0] : vector<16xf32>, vector<16xi32> -> vector<16xf32>
      %parallel_loop3A_251 = arith.addf %parallel_loop3A_248, %parallel_loop3A_250 : vector<16xf32>
      %parallel_loop3A_252 = vector.shape_cast %broadcast_in_dim3A_102 : vector<16x1xi32> to vector<16xi32>
      %parallel_loop3A_253 = tpu.dynamic_gather %parallel_loop3A_251[%parallel_loop3A_252] in [0] : vector<16xf32>, vector<16xi32> -> vector<16xf32>
      %parallel_loop3A_254 = arith.addf %parallel_loop3A_251, %parallel_loop3A_253 : vector<16xf32>
      %parallel_loop3A_255 = vector.broadcast %parallel_loop3A_115 : f32 to vector<16xf32>
      %parallel_loop3A_256 = arith.mulf %parallel_loop3A_254, %parallel_loop3A_255 : vector<16xf32>
      %parallel_loop3A_257 = arith.mulf %parallel_loop3A_227, %parallel_loop3A_227 : vector<16xf32>
      %parallel_loop3A_258 = arith.subf %parallel_loop3A_256, %parallel_loop3A_257 : vector<16xf32>
      %parallel_loop3A_259 = arith.constant 9.99999996E-13 : f32
      %parallel_loop3A_260 = vector.broadcast %parallel_loop3A_259 : f32 to vector<16xf32>
      %parallel_loop3A_261 = arith.addf %parallel_loop3A_258, %parallel_loop3A_260 : vector<16xf32>
      %parallel_loop3A_262 = tpu.bitcast %parallel_loop3A_261 : vector<16xf32> -> vector<16xi32>
      %parallel_loop3A_263 = arith.constant 1 : i32
      %parallel_loop3A_264 = vector.broadcast %parallel_loop3A_263 : i32 to vector<16xi32>
      %parallel_loop3A_265 = arith.shrui %parallel_loop3A_262, %parallel_loop3A_264 : vector<16xi32>
      %parallel_loop3A_266 = arith.constant 1597463007 : i32
      %parallel_loop3A_267 = vector.broadcast %parallel_loop3A_266 : i32 to vector<16xi32>
      %parallel_loop3A_268 = arith.subi %parallel_loop3A_267, %parallel_loop3A_265 : vector<16xi32>
      %parallel_loop3A_269 = tpu.bitcast %parallel_loop3A_268 : vector<16xi32> -> vector<16xf32>
      %parallel_loop3A_270 = arith.constant 5.000000e-01 : f32
      %parallel_loop3A_271 = vector.broadcast %parallel_loop3A_270 : f32 to vector<16xf32>
      %parallel_loop3A_272 = arith.mulf %parallel_loop3A_261, %parallel_loop3A_271 : vector<16xf32>
      %parallel_loop3A_273 = arith.mulf %parallel_loop3A_272, %parallel_loop3A_269 : vector<16xf32>
      %parallel_loop3A_274 = arith.mulf %parallel_loop3A_273, %parallel_loop3A_269 : vector<16xf32>
      %parallel_loop3A_275 = arith.constant 1.500000e+00 : f32
      %parallel_loop3A_276 = vector.broadcast %parallel_loop3A_275 : f32 to vector<16xf32>
      %parallel_loop3A_277 = arith.subf %parallel_loop3A_276, %parallel_loop3A_274 : vector<16xf32>
      %parallel_loop3A_278 = arith.mulf %parallel_loop3A_269, %parallel_loop3A_277 : vector<16xf32>
      %parallel_loop3A_279 = arith.mulf %parallel_loop3A_272, %parallel_loop3A_278 : vector<16xf32>
      %parallel_loop3A_280 = arith.mulf %parallel_loop3A_279, %parallel_loop3A_278 : vector<16xf32>
      %parallel_loop3A_281 = arith.constant 1.500000e+00 : f32
      %parallel_loop3A_282 = vector.broadcast %parallel_loop3A_281 : f32 to vector<16xf32>
      %parallel_loop3A_283 = arith.subf %parallel_loop3A_282, %parallel_loop3A_280 : vector<16xf32>
      %parallel_loop3A_284 = arith.mulf %parallel_loop3A_278, %parallel_loop3A_283 : vector<16xf32>
      %parallel_loop3A_285 = arith.subf %parallel_loop3A_178, %parallel_loop3A_227 : vector<16xf32>
      %parallel_loop3A_286 = arith.mulf %parallel_loop3A_285, %parallel_loop3A_284 : vector<16xf32>
      %parallel_loop3A_287 = arith.mulf %parallel_loop3A_286, %get3A_43 : vector<16xf32>
      %parallel_loop3A_288 = arith.addf %parallel_loop3A_287, %get3A_67 : vector<16xf32>
      %parallel_loop3A_289 = arith.index_cast %parallel_loop3A_174 : i32 to index
      %parallel_loop3A_290 = arith.constant 0 : index
      %parallel_loop3A_291 = tpu.vector_load %arg9[%parallel_loop3A_289, %parallel_loop3A_290] {strides = array<i32>} : memref<256x128xf32, #tpu.memory_space<vmem>>, vector<1x16xf32>,
      %parallel_loop3A_292 = vector.shape_cast %parallel_loop3A_291 : vector<1x16xf32> to vector<16xf32>
      %parallel_loop3A_293 = vector.shape_cast %parallel_loop3A_288 : vector<16xf32> to vector<1x16xf32>
      tpu.vector_store %arg9[%parallel_loop3A_289, %parallel_loop3A_290], %parallel_loop3A_293 {strides = array<i32>} : memref<256x128xf32, #tpu.memory_space<vmem>>, vector<1x16xf32>,
      %parallel_loop3A_294 = arith.subf %parallel_loop3A_182, %parallel_loop3A_227 : vector<16xf32>
      %parallel_loop3A_295 = arith.mulf %parallel_loop3A_294, %parallel_loop3A_284 : vector<16xf32>
      %parallel_loop3A_296 = arith.mulf %parallel_loop3A_295, %get3A_46 : vector<16xf32>
      %parallel_loop3A_297 = arith.addf %parallel_loop3A_296, %get3A_70 : vector<16xf32>
      %parallel_loop3A_298 = arith.index_cast %parallel_loop3A_174 : i32 to index
      %parallel_loop3A_299 = arith.constant 16 : index
      %parallel_loop3A_300 = tpu.vector_load %arg9[%parallel_loop3A_298, %parallel_loop3A_299] {strides = array<i32>} : memref<256x128xf32, #tpu.memory_space<vmem>>, vector<1x16xf32>,
      %parallel_loop3A_301 = vector.shape_cast %parallel_loop3A_300 : vector<1x16xf32> to vector<16xf32>
      %parallel_loop3A_302 = vector.shape_cast %parallel_loop3A_297 : vector<16xf32> to vector<1x16xf32>
      tpu.vector_store %arg9[%parallel_loop3A_298, %parallel_loop3A_299], %parallel_loop3A_302 {strides = array<i32>} : memref<256x128xf32, #tpu.memory_space<vmem>>, vector<1x16xf32>,
      %parallel_loop3A_303 = arith.subf %parallel_loop3A_186, %parallel_loop3A_227 : vector<16xf32>
      %parallel_loop3A_304 = arith.mulf %parallel_loop3A_303, %parallel_loop3A_284 : vector<16xf32>
      %parallel_loop3A_305 = arith.mulf %parallel_loop3A_304, %get3A_49 : vector<16xf32>
      %parallel_loop3A_306 = arith.addf %parallel_loop3A_305, %get3A_73 : vector<16xf32>
      %parallel_loop3A_307 = arith.index_cast %parallel_loop3A_174 : i32 to index
      %parallel_loop3A_308 = arith.constant 32 : index
      %parallel_loop3A_309 = tpu.vector_load %arg9[%parallel_loop3A_307, %parallel_loop3A_308] {strides = array<i32>} : memref<256x128xf32, #tpu.memory_space<vmem>>, vector<1x16xf32>,
      %parallel_loop3A_310 = vector.shape_cast %parallel_loop3A_309 : vector<1x16xf32> to vector<16xf32>
      %parallel_loop3A_311 = vector.shape_cast %parallel_loop3A_306 : vector<16xf32> to vector<1x16xf32>
      tpu.vector_store %arg9[%parallel_loop3A_307, %parallel_loop3A_308], %parallel_loop3A_311 {strides = array<i32>} : memref<256x128xf32, #tpu.memory_space<vmem>>, vector<1x16xf32>,
      %parallel_loop3A_312 = arith.subf %parallel_loop3A_190, %parallel_loop3A_227 : vector<16xf32>
      %parallel_loop3A_313 = arith.mulf %parallel_loop3A_312, %parallel_loop3A_284 : vector<16xf32>
      %parallel_loop3A_314 = arith.mulf %parallel_loop3A_313, %get3A_52 : vector<16xf32>
      %parallel_loop3A_315 = arith.addf %parallel_loop3A_314, %get3A_76 : vector<16xf32>
      %parallel_loop3A_316 = arith.index_cast %parallel_loop3A_174 : i32 to index
      %parallel_loop3A_317 = arith.constant 48 : index
      %parallel_loop3A_318 = tpu.vector_load %arg9[%parallel_loop3A_316, %parallel_loop3A_317] {strides = array<i32>} : memref<256x128xf32, #tpu.memory_space<vmem>>, vector<1x16xf32>,
      %parallel_loop3A_319 = vector.shape_cast %parallel_loop3A_318 : vector<1x16xf32> to vector<16xf32>
      %parallel_loop3A_320 = vector.shape_cast %parallel_loop3A_315 : vector<16xf32> to vector<1x16xf32>
      tpu.vector_store %arg9[%parallel_loop3A_316, %parallel_loop3A_317], %parallel_loop3A_320 {strides = array<i32>} : memref<256x128xf32, #tpu.memory_space<vmem>>, vector<1x16xf32>,
      %parallel_loop3A_321 = arith.subf %parallel_loop3A_194, %parallel_loop3A_227 : vector<16xf32>
      %parallel_loop3A_322 = arith.mulf %parallel_loop3A_321, %parallel_loop3A_284 : vector<16xf32>
      %parallel_loop3A_323 = arith.mulf %parallel_loop3A_322, %get3A_55 : vector<16xf32>
      %parallel_loop3A_324 = arith.addf %parallel_loop3A_323, %get3A_79 : vector<16xf32>
      %parallel_loop3A_325 = arith.index_cast %parallel_loop3A_174 : i32 to index
      %parallel_loop3A_326 = arith.constant 64 : index
      %parallel_loop3A_327 = tpu.vector_load %arg9[%parallel_loop3A_325, %parallel_loop3A_326] {strides = array<i32>} : memref<256x128xf32, #tpu.memory_space<vmem>>, vector<1x16xf32>,
      %parallel_loop3A_328 = vector.shape_cast %parallel_loop3A_327 : vector<1x16xf32> to vector<16xf32>
      %parallel_loop3A_329 = vector.shape_cast %parallel_loop3A_324 : vector<16xf32> to vector<1x16xf32>
      tpu.vector_store %arg9[%parallel_loop3A_325, %parallel_loop3A_326], %parallel_loop3A_329 {strides = array<i32>} : memref<256x128xf32, #tpu.memory_space<vmem>>, vector<1x16xf32>,
      %parallel_loop3A_330 = arith.subf %parallel_loop3A_198, %parallel_loop3A_227 : vector<16xf32>
      %parallel_loop3A_331 = arith.mulf %parallel_loop3A_330, %parallel_loop3A_284 : vector<16xf32>
      %parallel_loop3A_332 = arith.mulf %parallel_loop3A_331, %get3A_58 : vector<16xf32>
      %parallel_loop3A_333 = arith.addf %parallel_loop3A_332, %get3A_82 : vector<16xf32>
      %parallel_loop3A_334 = arith.index_cast %parallel_loop3A_174 : i32 to index
      %parallel_loop3A_335 = arith.constant 80 : index
      %parallel_loop3A_336 = tpu.vector_load %arg9[%parallel_loop3A_334, %parallel_loop3A_335] {strides = array<i32>} : memref<256x128xf32, #tpu.memory_space<vmem>>, vector<1x16xf32>,
      %parallel_loop3A_337 = vector.shape_cast %parallel_loop3A_336 : vector<1x16xf32> to vector<16xf32>
      %parallel_loop3A_338 = vector.shape_cast %parallel_loop3A_333 : vector<16xf32> to vector<1x16xf32>
      tpu.vector_store %arg9[%parallel_loop3A_334, %parallel_loop3A_335], %parallel_loop3A_338 {strides = array<i32>} : memref<256x128xf32, #tpu.memory_space<vmem>>, vector<1x16xf32>,
      %parallel_loop3A_339 = arith.subf %parallel_loop3A_202, %parallel_loop3A_227 : vector<16xf32>
      %parallel_loop3A_340 = arith.mulf %parallel_loop3A_339, %parallel_loop3A_284 : vector<16xf32>
      %parallel_loop3A_341 = arith.mulf %parallel_loop3A_340, %get3A_61 : vector<16xf32>
      %parallel_loop3A_342 = arith.addf %parallel_loop3A_341, %get3A_85 : vector<16xf32>
      %parallel_loop3A_343 = arith.index_cast %parallel_loop3A_174 : i32 to index
      %parallel_loop3A_344 = arith.constant 96 : index
      %parallel_loop3A_345 = tpu.vector_load %arg9[%parallel_loop3A_343, %parallel_loop3A_344] {strides = array<i32>} : memref<256x128xf32, #tpu.memory_space<vmem>>, vector<1x16xf32>,
      %parallel_loop3A_346 = vector.shape_cast %parallel_loop3A_345 : vector<1x16xf32> to vector<16xf32>
      %parallel_loop3A_347 = vector.shape_cast %parallel_loop3A_342 : vector<16xf32> to vector<1x16xf32>
      tpu.vector_store %arg9[%parallel_loop3A_343, %parallel_loop3A_344], %parallel_loop3A_347 {strides = array<i32>} : memref<256x128xf32, #tpu.memory_space<vmem>>, vector<1x16xf32>,
      %parallel_loop3A_348 = arith.subf %parallel_loop3A_206, %parallel_loop3A_227 : vector<16xf32>
      %parallel_loop3A_349 = arith.mulf %parallel_loop3A_348, %parallel_loop3A_284 : vector<16xf32>
      %parallel_loop3A_350 = arith.mulf %parallel_loop3A_349, %get3A_64 : vector<16xf32>
      %parallel_loop3A_351 = arith.addf %parallel_loop3A_350, %get3A_88 : vector<16xf32>
      %parallel_loop3A_352 = arith.index_cast %parallel_loop3A_174 : i32 to index
      %parallel_loop3A_353 = arith.constant 112 : index
      %parallel_loop3A_354 = tpu.vector_load %arg9[%parallel_loop3A_352, %parallel_loop3A_353] {strides = array<i32>} : memref<256x128xf32, #tpu.memory_space<vmem>>, vector<1x16xf32>,
      %parallel_loop3A_355 = vector.shape_cast %parallel_loop3A_354 : vector<1x16xf32> to vector<16xf32>
      %parallel_loop3A_356 = vector.shape_cast %parallel_loop3A_351 : vector<16xf32> to vector<1x16xf32>
      tpu.vector_store %arg9[%parallel_loop3A_352, %parallel_loop3A_353], %parallel_loop3A_356 {strides = array<i32>} : memref<256x128xf32, #tpu.memory_space<vmem>>, vector<1x16xf32>,
    } {sc.loop_unroll_factor = 1 : i64, sc.parallel_access}
    %add3A_116 = arith.constant 0 : i32
    %add3A_117 = arith.addi %mul3A_2, %add3A_116 : i32
    %dma_start3A_118 = arith.constant 0 : i32
    %dma_start3A_119 = arith.constant 0 : i32
    %dma_start3A_120 = tpu.memref_slice %arg9[%dma_start3A_118, %dma_start3A_119] : memref<256x128xf32, #tpu.memory_space<vmem>> -> memref<128x128xf32, #tpu.memory_space<vmem>>
    %dma_start3A_121 = arith.constant 0 : i32
    %dma_start3A_122 = tpu.memref_slice %arg7[%add3A_117, %dma_start3A_121] : memref<8192x128xf32, #tpu.memory_space<hbm>> -> memref<128x128xf32, #tpu.memory_space<hbm>>
    %dma_start3A_123 = arith.constant 0 : i32
    %dma_start3A_124 = tpu.memref_slice %arg7[%add3A_117, %dma_start3A_123] : memref<8192x128xf32, #tpu.memory_space<hbm>> -> memref<128x128xf32, #tpu.memory_space<hbm>>
    %dma_start3A_125 = arith.constant 0 : i32
    %dma_start3A_126 = arith.constant 0 : i32
    %dma_start3A_127 = tpu.memref_slice %arg9[%dma_start3A_125, %dma_start3A_126] : memref<256x128xf32, #tpu.memory_space<vmem>> -> memref<128x128xf32, #tpu.memory_space<vmem>>
    tpu.enqueue_dma source(%dma_start3A_127 : memref<128x128xf32, #tpu.memory_space<vmem>>) target(%dma_start3A_124 : memref<128x128xf32, #tpu.memory_space<hbm>>) target_semaphore(%arg15 : memref<!tpu.dma_semaphore, #tpu.memory_space<semaphore_mem>>)
    %dma_wait3A_128 = arith.constant 1 : i32
    %dma_wait3A_129 = arith.constant 128 : i32
    %dma_wait3A_130 = arith.constant 0 : i32
    %dma_wait3A_131 = tpu.memref_slice %arg9[%dma_wait3A_129, %dma_wait3A_130] : memref<256x128xf32, #tpu.memory_space<vmem>> -> memref<128x128xf32, #tpu.memory_space<vmem>>
    %dma_wait3A_132 = arith.constant 0 : i32
    %dma_wait3A_133 = tpu.memref_slice %arg8[%dma_wait3A_128, %dma_wait3A_132] : memref<2x128xi32, #tpu.memory_space<vmem>> -> memref<1x128xi32, #tpu.memory_space<vmem>>
    %dma_wait3A_134 = tpu.memref_squeeze %dma_wait3A_133 : memref<1x128xi32, #tpu.memory_space<vmem>> -> memref<128xi32, #tpu.memory_space<vmem>>
    %dma_wait3A_135 = arith.constant 0 : i32
    %dma_wait3A_136 = arith.constant 0 : i32
    %dma_wait3A_137 = tpu.memref_slice %arg3[%dma_wait3A_135, %dma_wait3A_136] : memref<100000x128xf32, #tpu.memory_space<hbm>> -> memref<100000x128xf32, #tpu.memory_space<hbm>>
    tpu.wait_indirect_dma semaphore(%arg13 : memref<!tpu.dma_semaphore, #tpu.memory_space<semaphore_mem>>) src(%dma_wait3A_137 : memref<100000x128xf32, #tpu.memory_space<hbm>>) dst(%dma_wait3A_131 : memref<128x128xf32, #tpu.memory_space<vmem>>)
    %parallel_loop3A_138 = arith.constant 128 : i32
    %parallel_loop3A_139 = arith.constant 256 : i32
    %parallel_loop3A_140 = arith.constant 1 : i32
    %parallel_loop3A_141 = arith.constant 7.812500e-03 : f32
    scf.for %parallel_loop3A_174 = %parallel_loop3A_138 to %parallel_loop3A_139 step %parallel_loop3A_140  : i32 {
      %parallel_loop3A_175 = arith.index_cast %parallel_loop3A_174 : i32 to index
      %parallel_loop3A_176 = arith.constant 0 : index
      %parallel_loop3A_177 = tpu.vector_load %arg9[%parallel_loop3A_175, %parallel_loop3A_176] {strides = array<i32>} : memref<256x128xf32, #tpu.memory_space<vmem>>, vector<1x16xf32>,
      %parallel_loop3A_178 = vector.shape_cast %parallel_loop3A_177 : vector<1x16xf32> to vector<16xf32>
      %parallel_loop3A_179 = arith.index_cast %parallel_loop3A_174 : i32 to index
      %parallel_loop3A_180 = arith.constant 16 : index
      %parallel_loop3A_181 = tpu.vector_load %arg9[%parallel_loop3A_179, %parallel_loop3A_180] {strides = array<i32>} : memref<256x128xf32, #tpu.memory_space<vmem>>, vector<1x16xf32>,
      %parallel_loop3A_182 = vector.shape_cast %parallel_loop3A_181 : vector<1x16xf32> to vector<16xf32>
      %parallel_loop3A_183 = arith.index_cast %parallel_loop3A_174 : i32 to index
      %parallel_loop3A_184 = arith.constant 32 : index
      %parallel_loop3A_185 = tpu.vector_load %arg9[%parallel_loop3A_183, %parallel_loop3A_184] {strides = array<i32>} : memref<256x128xf32, #tpu.memory_space<vmem>>, vector<1x16xf32>,
      %parallel_loop3A_186 = vector.shape_cast %parallel_loop3A_185 : vector<1x16xf32> to vector<16xf32>
      %parallel_loop3A_187 = arith.index_cast %parallel_loop3A_174 : i32 to index
      %parallel_loop3A_188 = arith.constant 48 : index
      %parallel_loop3A_189 = tpu.vector_load %arg9[%parallel_loop3A_187, %parallel_loop3A_188] {strides = array<i32>} : memref<256x128xf32, #tpu.memory_space<vmem>>, vector<1x16xf32>,
      %parallel_loop3A_190 = vector.shape_cast %parallel_loop3A_189 : vector<1x16xf32> to vector<16xf32>
      %parallel_loop3A_191 = arith.index_cast %parallel_loop3A_174 : i32 to index
      %parallel_loop3A_192 = arith.constant 64 : index
      %parallel_loop3A_193 = tpu.vector_load %arg9[%parallel_loop3A_191, %parallel_loop3A_192] {strides = array<i32>} : memref<256x128xf32, #tpu.memory_space<vmem>>, vector<1x16xf32>,
      %parallel_loop3A_194 = vector.shape_cast %parallel_loop3A_193 : vector<1x16xf32> to vector<16xf32>
      %parallel_loop3A_195 = arith.index_cast %parallel_loop3A_174 : i32 to index
      %parallel_loop3A_196 = arith.constant 80 : index
      %parallel_loop3A_197 = tpu.vector_load %arg9[%parallel_loop3A_195, %parallel_loop3A_196] {strides = array<i32>} : memref<256x128xf32, #tpu.memory_space<vmem>>, vector<1x16xf32>,
      %parallel_loop3A_198 = vector.shape_cast %parallel_loop3A_197 : vector<1x16xf32> to vector<16xf32>
      %parallel_loop3A_199 = arith.index_cast %parallel_loop3A_174 : i32 to index
      %parallel_loop3A_200 = arith.constant 96 : index
      %parallel_loop3A_201 = tpu.vector_load %arg9[%parallel_loop3A_199, %parallel_loop3A_200] {strides = array<i32>} : memref<256x128xf32, #tpu.memory_space<vmem>>, vector<1x16xf32>,
      %parallel_loop3A_202 = vector.shape_cast %parallel_loop3A_201 : vector<1x16xf32> to vector<16xf32>
      %parallel_loop3A_203 = arith.index_cast %parallel_loop3A_174 : i32 to index
      %parallel_loop3A_204 = arith.constant 112 : index
      %parallel_loop3A_205 = tpu.vector_load %arg9[%parallel_loop3A_203, %parallel_loop3A_204] {strides = array<i32>} : memref<256x128xf32, #tpu.memory_space<vmem>>, vector<1x16xf32>,
      %parallel_loop3A_206 = vector.shape_cast %parallel_loop3A_205 : vector<1x16xf32> to vector<16xf32>
      %parallel_loop3A_207 = arith.addf %parallel_loop3A_178, %parallel_loop3A_182 : vector<16xf32>
      %parallel_loop3A_208 = arith.addf %parallel_loop3A_186, %parallel_loop3A_190 : vector<16xf32>
      %parallel_loop3A_209 = arith.addf %parallel_loop3A_194, %parallel_loop3A_198 : vector<16xf32>
      %parallel_loop3A_210 = arith.addf %parallel_loop3A_202, %parallel_loop3A_206 : vector<16xf32>
      %parallel_loop3A_211 = arith.addf %parallel_loop3A_207, %parallel_loop3A_208 : vector<16xf32>
      %parallel_loop3A_212 = arith.addf %parallel_loop3A_209, %parallel_loop3A_210 : vector<16xf32>
      %parallel_loop3A_213 = arith.addf %parallel_loop3A_211, %parallel_loop3A_212 : vector<16xf32>
      %parallel_loop3A_214 = vector.shape_cast %broadcast_in_dim3A : vector<16x1xi32> to vector<16xi32>
      %parallel_loop3A_215 = tpu.dynamic_gather %parallel_loop3A_213[%parallel_loop3A_214] in [0] : vector<16xf32>, vector<16xi32> -> vector<16xf32>
      %parallel_loop3A_216 = arith.addf %parallel_loop3A_213, %parallel_loop3A_215 : vector<16xf32>
      %parallel_loop3A_217 = vector.shape_cast %broadcast_in_dim3A_94 : vector<16x1xi32> to vector<16xi32>
      %parallel_loop3A_218 = tpu.dynamic_gather %parallel_loop3A_216[%parallel_loop3A_217] in [0] : vector<16xf32>, vector<16xi32> -> vector<16xf32>
      %parallel_loop3A_219 = arith.addf %parallel_loop3A_216, %parallel_loop3A_218 : vector<16xf32>
      %parallel_loop3A_220 = vector.shape_cast %broadcast_in_dim3A_98 : vector<16x1xi32> to vector<16xi32>
      %parallel_loop3A_221 = tpu.dynamic_gather %parallel_loop3A_219[%parallel_loop3A_220] in [0] : vector<16xf32>, vector<16xi32> -> vector<16xf32>
      %parallel_loop3A_222 = arith.addf %parallel_loop3A_219, %parallel_loop3A_221 : vector<16xf32>
      %parallel_loop3A_223 = vector.shape_cast %broadcast_in_dim3A_102 : vector<16x1xi32> to vector<16xi32>
      %parallel_loop3A_224 = tpu.dynamic_gather %parallel_loop3A_222[%parallel_loop3A_223] in [0] : vector<16xf32>, vector<16xi32> -> vector<16xf32>
      %parallel_loop3A_225 = arith.addf %parallel_loop3A_222, %parallel_loop3A_224 : vector<16xf32>
      %parallel_loop3A_226 = vector.broadcast %parallel_loop3A_141 : f32 to vector<16xf32>
      %parallel_loop3A_227 = arith.mulf %parallel_loop3A_225, %parallel_loop3A_226 : vector<16xf32>
      %parallel_loop3A_228 = arith.mulf %parallel_loop3A_178, %parallel_loop3A_178 : vector<16xf32>
      %parallel_loop3A_229 = arith.mulf %parallel_loop3A_182, %parallel_loop3A_182 : vector<16xf32>
      %parallel_loop3A_230 = arith.mulf %parallel_loop3A_186, %parallel_loop3A_186 : vector<16xf32>
      %parallel_loop3A_231 = arith.mulf %parallel_loop3A_190, %parallel_loop3A_190 : vector<16xf32>
      %parallel_loop3A_232 = arith.mulf %parallel_loop3A_194, %parallel_loop3A_194 : vector<16xf32>
      %parallel_loop3A_233 = arith.mulf %parallel_loop3A_198, %parallel_loop3A_198 : vector<16xf32>
      %parallel_loop3A_234 = arith.mulf %parallel_loop3A_202, %parallel_loop3A_202 : vector<16xf32>
      %parallel_loop3A_235 = arith.mulf %parallel_loop3A_206, %parallel_loop3A_206 : vector<16xf32>
      %parallel_loop3A_236 = arith.addf %parallel_loop3A_228, %parallel_loop3A_229 : vector<16xf32>
      %parallel_loop3A_237 = arith.addf %parallel_loop3A_230, %parallel_loop3A_231 : vector<16xf32>
      %parallel_loop3A_238 = arith.addf %parallel_loop3A_232, %parallel_loop3A_233 : vector<16xf32>
      %parallel_loop3A_239 = arith.addf %parallel_loop3A_234, %parallel_loop3A_235 : vector<16xf32>
      %parallel_loop3A_240 = arith.addf %parallel_loop3A_236, %parallel_loop3A_237 : vector<16xf32>
      %parallel_loop3A_241 = arith.addf %parallel_loop3A_238, %parallel_loop3A_239 : vector<16xf32>
      %parallel_loop3A_242 = arith.addf %parallel_loop3A_240, %parallel_loop3A_241 : vector<16xf32>
      %parallel_loop3A_243 = vector.shape_cast %broadcast_in_dim3A : vector<16x1xi32> to vector<16xi32>
      %parallel_loop3A_244 = tpu.dynamic_gather %parallel_loop3A_242[%parallel_loop3A_243] in [0] : vector<16xf32>, vector<16xi32> -> vector<16xf32>
      %parallel_loop3A_245 = arith.addf %parallel_loop3A_242, %parallel_loop3A_244 : vector<16xf32>
      %parallel_loop3A_246 = vector.shape_cast %broadcast_in_dim3A_94 : vector<16x1xi32> to vector<16xi32>
      %parallel_loop3A_247 = tpu.dynamic_gather %parallel_loop3A_245[%parallel_loop3A_246] in [0] : vector<16xf32>, vector<16xi32> -> vector<16xf32>
      %parallel_loop3A_248 = arith.addf %parallel_loop3A_245, %parallel_loop3A_247 : vector<16xf32>
      %parallel_loop3A_249 = vector.shape_cast %broadcast_in_dim3A_98 : vector<16x1xi32> to vector<16xi32>
      %parallel_loop3A_250 = tpu.dynamic_gather %parallel_loop3A_248[%parallel_loop3A_249] in [0] : vector<16xf32>, vector<16xi32> -> vector<16xf32>
      %parallel_loop3A_251 = arith.addf %parallel_loop3A_248, %parallel_loop3A_250 : vector<16xf32>
      %parallel_loop3A_252 = vector.shape_cast %broadcast_in_dim3A_102 : vector<16x1xi32> to vector<16xi32>
      %parallel_loop3A_253 = tpu.dynamic_gather %parallel_loop3A_251[%parallel_loop3A_252] in [0] : vector<16xf32>, vector<16xi32> -> vector<16xf32>
      %parallel_loop3A_254 = arith.addf %parallel_loop3A_251, %parallel_loop3A_253 : vector<16xf32>
      %parallel_loop3A_255 = vector.broadcast %parallel_loop3A_141 : f32 to vector<16xf32>
      %parallel_loop3A_256 = arith.mulf %parallel_loop3A_254, %parallel_loop3A_255 : vector<16xf32>
      %parallel_loop3A_257 = arith.mulf %parallel_loop3A_227, %parallel_loop3A_227 : vector<16xf32>
      %parallel_loop3A_258 = arith.subf %parallel_loop3A_256, %parallel_loop3A_257 : vector<16xf32>
      %parallel_loop3A_259 = arith.constant 9.99999996E-13 : f32
      %parallel_loop3A_260 = vector.broadcast %parallel_loop3A_259 : f32 to vector<16xf32>
      %parallel_loop3A_261 = arith.addf %parallel_loop3A_258, %parallel_loop3A_260 : vector<16xf32>
      %parallel_loop3A_262 = tpu.bitcast %parallel_loop3A_261 : vector<16xf32> -> vector<16xi32>
      %parallel_loop3A_263 = arith.constant 1 : i32
      %parallel_loop3A_264 = vector.broadcast %parallel_loop3A_263 : i32 to vector<16xi32>
      %parallel_loop3A_265 = arith.shrui %parallel_loop3A_262, %parallel_loop3A_264 : vector<16xi32>
      %parallel_loop3A_266 = arith.constant 1597463007 : i32
      %parallel_loop3A_267 = vector.broadcast %parallel_loop3A_266 : i32 to vector<16xi32>
      %parallel_loop3A_268 = arith.subi %parallel_loop3A_267, %parallel_loop3A_265 : vector<16xi32>
      %parallel_loop3A_269 = tpu.bitcast %parallel_loop3A_268 : vector<16xi32> -> vector<16xf32>
      %parallel_loop3A_270 = arith.constant 5.000000e-01 : f32
      %parallel_loop3A_271 = vector.broadcast %parallel_loop3A_270 : f32 to vector<16xf32>
      %parallel_loop3A_272 = arith.mulf %parallel_loop3A_261, %parallel_loop3A_271 : vector<16xf32>
      %parallel_loop3A_273 = arith.mulf %parallel_loop3A_272, %parallel_loop3A_269 : vector<16xf32>
      %parallel_loop3A_274 = arith.mulf %parallel_loop3A_273, %parallel_loop3A_269 : vector<16xf32>
      %parallel_loop3A_275 = arith.constant 1.500000e+00 : f32
      %parallel_loop3A_276 = vector.broadcast %parallel_loop3A_275 : f32 to vector<16xf32>
      %parallel_loop3A_277 = arith.subf %parallel_loop3A_276, %parallel_loop3A_274 : vector<16xf32>
      %parallel_loop3A_278 = arith.mulf %parallel_loop3A_269, %parallel_loop3A_277 : vector<16xf32>
      %parallel_loop3A_279 = arith.mulf %parallel_loop3A_272, %parallel_loop3A_278 : vector<16xf32>
      %parallel_loop3A_280 = arith.mulf %parallel_loop3A_279, %parallel_loop3A_278 : vector<16xf32>
      %parallel_loop3A_281 = arith.constant 1.500000e+00 : f32
      %parallel_loop3A_282 = vector.broadcast %parallel_loop3A_281 : f32 to vector<16xf32>
      %parallel_loop3A_283 = arith.subf %parallel_loop3A_282, %parallel_loop3A_280 : vector<16xf32>
      %parallel_loop3A_284 = arith.mulf %parallel_loop3A_278, %parallel_loop3A_283 : vector<16xf32>
      %parallel_loop3A_285 = arith.subf %parallel_loop3A_178, %parallel_loop3A_227 : vector<16xf32>
      %parallel_loop3A_286 = arith.mulf %parallel_loop3A_285, %parallel_loop3A_284 : vector<16xf32>
      %parallel_loop3A_287 = arith.mulf %parallel_loop3A_286, %get3A_43 : vector<16xf32>
      %parallel_loop3A_288 = arith.addf %parallel_loop3A_287, %get3A_67 : vector<16xf32>
      %parallel_loop3A_289 = arith.index_cast %parallel_loop3A_174 : i32 to index
      %parallel_loop3A_290 = arith.constant 0 : index
      %parallel_loop3A_291 = tpu.vector_load %arg9[%parallel_loop3A_289, %parallel_loop3A_290] {strides = array<i32>} : memref<256x128xf32, #tpu.memory_space<vmem>>, vector<1x16xf32>,
      %parallel_loop3A_292 = vector.shape_cast %parallel_loop3A_291 : vector<1x16xf32> to vector<16xf32>
      %parallel_loop3A_293 = vector.shape_cast %parallel_loop3A_288 : vector<16xf32> to vector<1x16xf32>
      tpu.vector_store %arg9[%parallel_loop3A_289, %parallel_loop3A_290], %parallel_loop3A_293 {strides = array<i32>} : memref<256x128xf32, #tpu.memory_space<vmem>>, vector<1x16xf32>,
      %parallel_loop3A_294 = arith.subf %parallel_loop3A_182, %parallel_loop3A_227 : vector<16xf32>
      %parallel_loop3A_295 = arith.mulf %parallel_loop3A_294, %parallel_loop3A_284 : vector<16xf32>
      %parallel_loop3A_296 = arith.mulf %parallel_loop3A_295, %get3A_46 : vector<16xf32>
      %parallel_loop3A_297 = arith.addf %parallel_loop3A_296, %get3A_70 : vector<16xf32>
      %parallel_loop3A_298 = arith.index_cast %parallel_loop3A_174 : i32 to index
      %parallel_loop3A_299 = arith.constant 16 : index
      %parallel_loop3A_300 = tpu.vector_load %arg9[%parallel_loop3A_298, %parallel_loop3A_299] {strides = array<i32>} : memref<256x128xf32, #tpu.memory_space<vmem>>, vector<1x16xf32>,
      %parallel_loop3A_301 = vector.shape_cast %parallel_loop3A_300 : vector<1x16xf32> to vector<16xf32>
      %parallel_loop3A_302 = vector.shape_cast %parallel_loop3A_297 : vector<16xf32> to vector<1x16xf32>
      tpu.vector_store %arg9[%parallel_loop3A_298, %parallel_loop3A_299], %parallel_loop3A_302 {strides = array<i32>} : memref<256x128xf32, #tpu.memory_space<vmem>>, vector<1x16xf32>,
      %parallel_loop3A_303 = arith.subf %parallel_loop3A_186, %parallel_loop3A_227 : vector<16xf32>
      %parallel_loop3A_304 = arith.mulf %parallel_loop3A_303, %parallel_loop3A_284 : vector<16xf32>
      %parallel_loop3A_305 = arith.mulf %parallel_loop3A_304, %get3A_49 : vector<16xf32>
      %parallel_loop3A_306 = arith.addf %parallel_loop3A_305, %get3A_73 : vector<16xf32>
      %parallel_loop3A_307 = arith.index_cast %parallel_loop3A_174 : i32 to index
      %parallel_loop3A_308 = arith.constant 32 : index
      %parallel_loop3A_309 = tpu.vector_load %arg9[%parallel_loop3A_307, %parallel_loop3A_308] {strides = array<i32>} : memref<256x128xf32, #tpu.memory_space<vmem>>, vector<1x16xf32>,
      %parallel_loop3A_310 = vector.shape_cast %parallel_loop3A_309 : vector<1x16xf32> to vector<16xf32>
      %parallel_loop3A_311 = vector.shape_cast %parallel_loop3A_306 : vector<16xf32> to vector<1x16xf32>
      tpu.vector_store %arg9[%parallel_loop3A_307, %parallel_loop3A_308], %parallel_loop3A_311 {strides = array<i32>} : memref<256x128xf32, #tpu.memory_space<vmem>>, vector<1x16xf32>,
      %parallel_loop3A_312 = arith.subf %parallel_loop3A_190, %parallel_loop3A_227 : vector<16xf32>
      %parallel_loop3A_313 = arith.mulf %parallel_loop3A_312, %parallel_loop3A_284 : vector<16xf32>
      %parallel_loop3A_314 = arith.mulf %parallel_loop3A_313, %get3A_52 : vector<16xf32>
      %parallel_loop3A_315 = arith.addf %parallel_loop3A_314, %get3A_76 : vector<16xf32>
      %parallel_loop3A_316 = arith.index_cast %parallel_loop3A_174 : i32 to index
      %parallel_loop3A_317 = arith.constant 48 : index
      %parallel_loop3A_318 = tpu.vector_load %arg9[%parallel_loop3A_316, %parallel_loop3A_317] {strides = array<i32>} : memref<256x128xf32, #tpu.memory_space<vmem>>, vector<1x16xf32>,
      %parallel_loop3A_319 = vector.shape_cast %parallel_loop3A_318 : vector<1x16xf32> to vector<16xf32>
      %parallel_loop3A_320 = vector.shape_cast %parallel_loop3A_315 : vector<16xf32> to vector<1x16xf32>
      tpu.vector_store %arg9[%parallel_loop3A_316, %parallel_loop3A_317], %parallel_loop3A_320 {strides = array<i32>} : memref<256x128xf32, #tpu.memory_space<vmem>>, vector<1x16xf32>,
      %parallel_loop3A_321 = arith.subf %parallel_loop3A_194, %parallel_loop3A_227 : vector<16xf32>
      %parallel_loop3A_322 = arith.mulf %parallel_loop3A_321, %parallel_loop3A_284 : vector<16xf32>
      %parallel_loop3A_323 = arith.mulf %parallel_loop3A_322, %get3A_55 : vector<16xf32>
      %parallel_loop3A_324 = arith.addf %parallel_loop3A_323, %get3A_79 : vector<16xf32>
      %parallel_loop3A_325 = arith.index_cast %parallel_loop3A_174 : i32 to index
      %parallel_loop3A_326 = arith.constant 64 : index
      %parallel_loop3A_327 = tpu.vector_load %arg9[%parallel_loop3A_325, %parallel_loop3A_326] {strides = array<i32>} : memref<256x128xf32, #tpu.memory_space<vmem>>, vector<1x16xf32>,
      %parallel_loop3A_328 = vector.shape_cast %parallel_loop3A_327 : vector<1x16xf32> to vector<16xf32>
      %parallel_loop3A_329 = vector.shape_cast %parallel_loop3A_324 : vector<16xf32> to vector<1x16xf32>
      tpu.vector_store %arg9[%parallel_loop3A_325, %parallel_loop3A_326], %parallel_loop3A_329 {strides = array<i32>} : memref<256x128xf32, #tpu.memory_space<vmem>>, vector<1x16xf32>,
      %parallel_loop3A_330 = arith.subf %parallel_loop3A_198, %parallel_loop3A_227 : vector<16xf32>
      %parallel_loop3A_331 = arith.mulf %parallel_loop3A_330, %parallel_loop3A_284 : vector<16xf32>
      %parallel_loop3A_332 = arith.mulf %parallel_loop3A_331, %get3A_58 : vector<16xf32>
      %parallel_loop3A_333 = arith.addf %parallel_loop3A_332, %get3A_82 : vector<16xf32>
      %parallel_loop3A_334 = arith.index_cast %parallel_loop3A_174 : i32 to index
      %parallel_loop3A_335 = arith.constant 80 : index
      %parallel_loop3A_336 = tpu.vector_load %arg9[%parallel_loop3A_334, %parallel_loop3A_335] {strides = array<i32>} : memref<256x128xf32, #tpu.memory_space<vmem>>, vector<1x16xf32>,
      %parallel_loop3A_337 = vector.shape_cast %parallel_loop3A_336 : vector<1x16xf32> to vector<16xf32>
      %parallel_loop3A_338 = vector.shape_cast %parallel_loop3A_333 : vector<16xf32> to vector<1x16xf32>
      tpu.vector_store %arg9[%parallel_loop3A_334, %parallel_loop3A_335], %parallel_loop3A_338 {strides = array<i32>} : memref<256x128xf32, #tpu.memory_space<vmem>>, vector<1x16xf32>,
      %parallel_loop3A_339 = arith.subf %parallel_loop3A_202, %parallel_loop3A_227 : vector<16xf32>
      %parallel_loop3A_340 = arith.mulf %parallel_loop3A_339, %parallel_loop3A_284 : vector<16xf32>
      %parallel_loop3A_341 = arith.mulf %parallel_loop3A_340, %get3A_61 : vector<16xf32>
      %parallel_loop3A_342 = arith.addf %parallel_loop3A_341, %get3A_85 : vector<16xf32>
      %parallel_loop3A_343 = arith.index_cast %parallel_loop3A_174 : i32 to index
      %parallel_loop3A_344 = arith.constant 96 : index
      %parallel_loop3A_345 = tpu.vector_load %arg9[%parallel_loop3A_343, %parallel_loop3A_344] {strides = array<i32>} : memref<256x128xf32, #tpu.memory_space<vmem>>, vector<1x16xf32>,
      %parallel_loop3A_346 = vector.shape_cast %parallel_loop3A_345 : vector<1x16xf32> to vector<16xf32>
      %parallel_loop3A_347 = vector.shape_cast %parallel_loop3A_342 : vector<16xf32> to vector<1x16xf32>
      tpu.vector_store %arg9[%parallel_loop3A_343, %parallel_loop3A_344], %parallel_loop3A_347 {strides = array<i32>} : memref<256x128xf32, #tpu.memory_space<vmem>>, vector<1x16xf32>,
      %parallel_loop3A_348 = arith.subf %parallel_loop3A_206, %parallel_loop3A_227 : vector<16xf32>
      %parallel_loop3A_349 = arith.mulf %parallel_loop3A_348, %parallel_loop3A_284 : vector<16xf32>
      %parallel_loop3A_350 = arith.mulf %parallel_loop3A_349, %get3A_64 : vector<16xf32>
      %parallel_loop3A_351 = arith.addf %parallel_loop3A_350, %get3A_88 : vector<16xf32>
      %parallel_loop3A_352 = arith.index_cast %parallel_loop3A_174 : i32 to index
      %parallel_loop3A_353 = arith.constant 112 : index
      %parallel_loop3A_354 = tpu.vector_load %arg9[%parallel_loop3A_352, %parallel_loop3A_353] {strides = array<i32>} : memref<256x128xf32, #tpu.memory_space<vmem>>, vector<1x16xf32>,
      %parallel_loop3A_355 = vector.shape_cast %parallel_loop3A_354 : vector<1x16xf32> to vector<16xf32>
      %parallel_loop3A_356 = vector.shape_cast %parallel_loop3A_351 : vector<16xf32> to vector<1x16xf32>
      tpu.vector_store %arg9[%parallel_loop3A_352, %parallel_loop3A_353], %parallel_loop3A_356 {strides = array<i32>} : memref<256x128xf32, #tpu.memory_space<vmem>>, vector<1x16xf32>,
    } {sc.loop_unroll_factor = 1 : i64, sc.parallel_access}
    %add3A_142 = arith.constant 128 : i32
    %add3A_143 = arith.addi %mul3A_2, %add3A_142 : i32
    %dma_start3A_144 = arith.constant 128 : i32
    %dma_start3A_145 = arith.constant 0 : i32
    %dma_start3A_146 = tpu.memref_slice %arg9[%dma_start3A_144, %dma_start3A_145] : memref<256x128xf32, #tpu.memory_space<vmem>> -> memref<128x128xf32, #tpu.memory_space<vmem>>
    %dma_start3A_147 = arith.constant 0 : i32
    %dma_start3A_148 = tpu.memref_slice %arg7[%add3A_143, %dma_start3A_147] : memref<8192x128xf32, #tpu.memory_space<hbm>> -> memref<128x128xf32, #tpu.memory_space<hbm>>
    %dma_start3A_149 = arith.constant 0 : i32
    %dma_start3A_150 = tpu.memref_slice %arg7[%add3A_143, %dma_start3A_149] : memref<8192x128xf32, #tpu.memory_space<hbm>> -> memref<128x128xf32, #tpu.memory_space<hbm>>
    %dma_start3A_151 = arith.constant 128 : i32
    %dma_start3A_152 = arith.constant 0 : i32
    %dma_start3A_153 = tpu.memref_slice %arg9[%dma_start3A_151, %dma_start3A_152] : memref<256x128xf32, #tpu.memory_space<vmem>> -> memref<128x128xf32, #tpu.memory_space<vmem>>
    tpu.enqueue_dma source(%dma_start3A_153 : memref<128x128xf32, #tpu.memory_space<vmem>>) target(%dma_start3A_150 : memref<128x128xf32, #tpu.memory_space<hbm>>) target_semaphore(%arg15 : memref<!tpu.dma_semaphore, #tpu.memory_space<semaphore_mem>>)
    %dma_wait3A_154 = arith.constant 0 : i32
    %dma_wait3A_155 = arith.constant 0 : i32
    %dma_wait3A_156 = tpu.memref_slice %arg9[%dma_wait3A_154, %dma_wait3A_155] : memref<256x128xf32, #tpu.memory_space<vmem>> -> memref<128x128xf32, #tpu.memory_space<vmem>>
    %dma_wait3A_157 = arith.constant 0 : i32
    %dma_wait3A_158 = tpu.memref_slice %arg7[%add3A_117, %dma_wait3A_157] : memref<8192x128xf32, #tpu.memory_space<hbm>> -> memref<128x128xf32, #tpu.memory_space<hbm>>
    %dma_wait3A_159 = arith.constant 0 : i32
    %dma_wait3A_160 = tpu.memref_slice %arg7[%add3A_117, %dma_wait3A_159] : memref<8192x128xf32, #tpu.memory_space<hbm>> -> memref<128x128xf32, #tpu.memory_space<hbm>>
    %dma_wait3A_161 = arith.constant 0 : i32
    %dma_wait3A_162 = arith.constant 0 : i32
    %dma_wait3A_163 = tpu.memref_slice %arg9[%dma_wait3A_161, %dma_wait3A_162] : memref<256x128xf32, #tpu.memory_space<vmem>> -> memref<128x128xf32, #tpu.memory_space<vmem>>
    tpu.wait_dma2 semaphore(%arg15 : memref<!tpu.dma_semaphore, #tpu.memory_space<semaphore_mem>>) src(%dma_wait3A_163 : memref<128x128xf32, #tpu.memory_space<vmem>>) dst(%dma_wait3A_160 : memref<128x128xf32, #tpu.memory_space<hbm>>)
    %dma_wait3A_164 = arith.constant 128 : i32
    %dma_wait3A_165 = arith.constant 0 : i32
    %dma_wait3A_166 = tpu.memref_slice %arg9[%dma_wait3A_164, %dma_wait3A_165] : memref<256x128xf32, #tpu.memory_space<vmem>> -> memref<128x128xf32, #tpu.memory_space<vmem>>
    %dma_wait3A_167 = arith.constant 0 : i32
    %dma_wait3A_168 = tpu.memref_slice %arg7[%add3A_143, %dma_wait3A_167] : memref<8192x128xf32, #tpu.memory_space<hbm>> -> memref<128x128xf32, #tpu.memory_space<hbm>>
    %dma_wait3A_169 = arith.constant 0 : i32
    %dma_wait3A_170 = tpu.memref_slice %arg7[%add3A_143, %dma_wait3A_169] : memref<8192x128xf32, #tpu.memory_space<hbm>> -> memref<128x128xf32, #tpu.memory_space<hbm>>
    %dma_wait3A_171 = arith.constant 128 : i32
    %dma_wait3A_172 = arith.constant 0 : i32
    %dma_wait3A_173 = tpu.memref_slice %arg9[%dma_wait3A_171, %dma_wait3A_172] : memref<256x128xf32, #tpu.memory_space<vmem>> -> memref<128x128xf32, #tpu.memory_space<vmem>>
    tpu.wait_dma2 semaphore(%arg15 : memref<!tpu.dma_semaphore, #tpu.memory_space<semaphore_mem>>) src(%dma_wait3A_173 : memref<128x128xf32, #tpu.memory_space<vmem>>) dst(%dma_wait3A_170 : memref<128x128xf32, #tpu.memory_space<hbm>>)
    return
  }
}

</mosaic_0001>

<sc_bundles>
// kernel: kernel.3.cloned.1.call-start
scs
__scs_entry_jumppad:
0x0: {  	(pc) =	sbr.rel $0x88, $3  }
0x1: {  	(tag) =	ssettag $0x0;
	lr =	simm.s32 $0x1  }
0x2: {  	[smem:$0x3F9C] =	sst lr;
	_ =	strace $0xD0000000  }
0x3: {  	_ = 	snop  }
0x4: {  	_ = 	snop  }
0x5: {  	_ = 	snop  }
0x6: {  	_ = 	snop  }
0x7: {  	_ = 	snop  }
__scs_overlays_trampoline_lowered:
0x8: {  	[smem:$0x3FAB] =	sst s0  }
0x9: {  	[smem:$0x3FAC] =	sst s1  }
0xa: {  	[smem:$0x3FAD] =	sst s2  }
0xb: {  	[smem:$0x3FAE] =	sst s3  }
0xc: {  	[smem:$0x3FAF] =	sst s4  }
0xd: {  	[smem:$0x3FB0] =	sst s5  }
0xe: {  	[smem:$0x3FB1] =	sst s6  }
0xf: {  	[smem:$0x3FB2] =	sst s7  }
0x10: {  	[smem:$0x3FB3] =	sst s8  }
0x11: {  	[smem:$0x3FB4] =	sst s9;
	s0 =	simm.s32 @!p0 $0x0  }
0x12: {  	s1 =	sld [smem:$0x3F9A];
	s0 =	simm.s32 @p0 $0x1  }
0x13: {  	[smem:$0x3FB5] =	sst s0;
	s0 =	simm.s32 @!p1 $0x0  }
0x14: {  	s2 =	sld [smem:$0x3F99];
	s0 =	simm.s32 @p1 $0x1  }
0x15: {  	[smem:$0x3FB6] =	sst s0;
	s0 =	simm.s32 @!p2 $0x0  }
0x16: {  	s3 =	sld [smem:$0x3FDB];
	s0 =	simm.s32 @p2 $0x1  }
0x17: {  	s4 =	simm.s32 $0x1BF5;
	[smem:$0x3FB8] =	sst s0  }
0x18: {  	s0 =	sld [smem:$0x3F9B];
	_ =	swait.ge [sflag:s4], $0x0  }
0x19: {  	s7 =	sld [smem:$0x3F9C]  }
0x1a: {  	s8 =	sadd.s32 $0xFFFFE003, lr  }
0x1b: {  	s9 =	sadd.s32 $0xFFFFFEF7, lr;
	s5 =	simm.s32 $0xFFFFFFFF;
	p2 =	slt.u32 s8, $0xFFFFF086  }
0x1c: {  	p1 =	slt.u32 s9, $0xF7A;
	s5 =	simm.s32 @!p2 $0x0  }
0x1d: {  	s5 =	simm.s32 @p1 $0x1;
	p0 =	seq.s32 s7, s2  }
0x1e: {  	s7 =	smul.u32 @!p0 $0xF7A, s2;
	p2 =	seq.s32 @!p0 s5, $0x0  }
0x1f: {  	s9 =	smul.u32 $0xF7A, s1;
	s8 =	simm.s32 @!p0 $0x1BF5;
	p2 =	por !p2, p0  }
0x20: {  	[sflag:s8] =	ssyncset.s32 @!p0 $0xFFFFF086;
	s6 =	sadd.s32 @!p0 s3, s7;
	s7 =	simm.s32 @!p0 $0x108  }
0x21: {  	s3 =	sadd.s32 s3, s9;
	s6 =	sadd.s32 @!p0 $0x88, s6;
	s7 =	simm.s32 @p2 $0x1082  }
0x22: {  	[simem:s7], [sflag:s8] =	dma.local @!p0 [hbm:s6], $0xF7A  }
0x23: {  	s9 =	sor.u32 $0xD0000000, s2;
	s6 =	simm.s32 $0x108;
	_ =	swait.ge @!p0 [sflag:s8], $0x0  }
0x24: {  	s3 =	sadd.s32 $0x88, s3;
	s6 =	simm.s32 @!p1 $0x1082;
	[sflag:s4] =	ssyncset.s32 $0xFFFFF086  }
0x25: {  	[simem:s6], [sflag:s4] =	dma.local [hbm:s3], $0xF7A  }
0x26: {  	[smem:$0x3F9C] =	sst s1;
	(tag) =	ssettag s2;
	_ =	strace s9  }
0x27: {  	s1 =	sld [smem:$0x3FAC]  }
0x28: {  	s2 =	sld [smem:$0x3FAD]  }
0x29: {  	s4 =	sld [smem:$0x3FAF]  }
0x2a: {  	p0 =	seq.s32 s5, $0x0;
	s5 =	sld [smem:$0x3FB0]  }
0x2b: {  	s6 =	sld [smem:$0x3FB1]  }
0x2c: {  	s7 =	sld [smem:$0x3FB2]  }
0x2d: {  	s3 =	simm.s32 $0x108;
	s8 =	sld [smem:$0x3FB3]  }
0x2e: {  	s3 =	simm.s32 @!p0 $0x1082;
	s9 =	sld [smem:$0x3FB4]  }
0x2f: {  	lr =	sadd.s32 s0, s3;
	s0 =	sld [smem:$0x3FAB]  }
0x30: {  	s3 =	sld [smem:$0x3FAE]  }
0x31: {  	[smem:$0x3FB7] =	sst s10  }
0x32: {  	s10 =	sld [smem:$0x3FB5];
	_ =	sdelay $0x3  }
0x33: {  	p0 =	seq.s32 s10, $0x1;
	s10 =	sld [smem:$0x3FB7];
	_ =	sdelay $0x3  }
0x34: {  	[smem:$0x3FB7] =	sst s10  }
0x35: {  	s10 =	sld [smem:$0x3FB6];
	_ =	sdelay $0x3  }
0x36: {  	p1 =	seq.s32 s10, $0x1;
	s10 =	sld [smem:$0x3FB7];
	_ =	sdelay $0x3  }
0x37: {  	[smem:$0x3FB7] =	sst s10  }
0x38: {  	s10 =	sld [smem:$0x3FB8]  }
0x39: {  	_ = 	snop;
	(pc) =	sbr.ind lr, $3  }
0x3a: {  	_ = 	snop  }
0x3b: {  	_ = 	snop  }
0x3c: {  	p2 =	seq.s32 s10, $0x1;
	s10 =	sld [smem:$0x3FB7]  }
0x3d: {  	_ =	shalt  }
0x3e: {  	_ =	shalt  }
0x3f: {  	_ =	shalt  }
0x40: {  	_ =	shalt  }
0x41: {  	_ =	shalt  }
0x42: {  	_ =	shalt  }
0x43: {  	_ =	shalt  }
0x44: {  	_ =	shalt  }
0x45: {  	_ =	shalt  }
0x46: {  	_ =	shalt  }
0x47: {  	_ =	shalt  }
0x48: {  	_ =	shalt  }
0x49: {  	_ =	shalt  }
0x4a: {  	_ =	shalt  }
0x4b: {  	_ =	shalt  }
0x4c: {  	_ =	shalt  }
0x4d: {  	_ =	shalt  }
0x4e: {  	_ =	shalt  }
0x4f: {  	_ =	shalt  }
0x50: {  	_ =	shalt  }
0x51: {  	_ =	shalt  }
0x52: {  	_ =	shalt  }
0x53: {  	_ =	shalt  }
0x54: {  	_ =	shalt  }
0x55: {  	_ =	shalt  }
0x56: {  	_ =	shalt  }
0x57: {  	_ =	shalt  }
0x58: {  	_ =	shalt  }
0x59: {  	_ =	shalt  }
0x5a: {  	_ =	shalt  }
0x5b: {  	_ =	shalt  }
0x5c: {  	_ =	shalt  }
0x5d: {  	_ =	shalt  }
0x5e: {  	_ =	shalt  }
0x5f: {  	_ =	shalt  }
0x60: {  	_ =	shalt  }
0x61: {  	_ =	shalt  }
0x62: {  	_ =	shalt  }
0x63: {  	_ =	shalt  }
0x64: {  	_ =	shalt  }
0x65: {  	_ =	shalt  }
0x66: {  	_ =	shalt  }
0x67: {  	_ =	shalt  }
0x68: {  	_ =	shalt  }
0x69: {  	_ =	shalt  }
0x6a: {  	_ =	shalt  }
0x6b: {  	_ =	shalt  }
0x6c: {  	_ =	shalt  }
0x6d: {  	_ =	shalt  }
0x6e: {  	_ =	shalt  }
0x6f: {  	_ =	shalt  }
0x70: {  	_ =	shalt  }
0x71: {  	_ =	shalt  }
0x72: {  	_ =	shalt  }
0x73: {  	_ =	shalt  }
0x74: {  	_ =	shalt  }
0x75: {  	_ =	shalt  }
0x76: {  	_ =	shalt  }
0x77: {  	_ =	shalt  }
0x78: {  	_ =	shalt  }
0x79: {  	_ =	shalt  }
0x7a: {  	_ =	shalt  }
0x7b: {  	_ =	shalt  }
0x7c: {  	_ =	shalt  }
0x7d: {  	_ =	shalt  }
0x7e: {  	_ =	shalt  }
0x7f: {  	_ =	shalt  }
0x80: {  	_ =	shalt  }
0x81: {  	_ =	shalt  }
0x82: {  	_ =	shalt  }
0x83: {  	_ =	shalt  }
0x84: {  	_ =	shalt  }
0x85: {  	_ =	shalt  }
0x86: {  	_ =	shalt  }
0x87: {  	_ =	shalt  }
.Lfunc_end0:
.L_simem_size_0:
called_computation_lowered:
.L_overlay_start_0:
0x88: {  	s2 =	sld [smem:$0x3FD9]  }
0x89: {  	s3 =	sld [smem:$0x3FFE];
	_ =	sdelay $0x1  }
0x8a: {  	s1 =	srdreg.scid  }
0x8b: {  	s0 =	sand.u32 $0x1, s1  }
0x8c: {  	s17 =	sshll.u32 s0, $0xA;
	s2 =	sadd.s32 s3, s2  }
0x8d: {  	s2 =	sadd.s32 s2, s17  }
0x8e: {  	[smem:$0x3FC3] =	sst s2  }
0x8f: {  	_ = 	snop  }
0x90: {  	s2 =	sld [smem:$0x3FC8]  }
0x91: {  	s18 =	sld [smem:$0x3FC7]  }
0x92: {  	s4 =	sld [smem:$0x3FC6]  }
0x93: {  	s5 =	sld [smem:$0x3FC5]  }
0x94: {  	s6 =	sld [smem:$0x3FD0];
	(tm) =	ssettm $0x1  }
0x95: {  	s7 =	sld [smem:$0x3FFB];
	_ =	sdelay $0x3  }
0x96: {  	_ =	strace s7  }
0x97: {  	s7 =	sld [smem:$0x3FFC];
	_ =	sdelay $0x3  }
0x98: {  	_ =	strace s7  }
0x99: {  	s7 =	sld [smem:$0x3FFD];
	_ =	sdelay $0x3  }
0x9a: {  	_ =	strace s7  }
0x9b: {  	_ =	strace $0x8FFFFFFF  }
0x9c: {  	s19 =	sld [smem:$0x3FDB];
	_ =	sdelay $0x1  }
0x9d: {  	s8 =	simm.s32 $_scs_section_size  }
0x9e: {  	s9 =	simm.s32 $_size__tile_overlayer_lowered;
	s10 =	simm.s32 $_tile_overlayer_lowered  }
0x9f: {  	s22 =	simm.s32 $0x1BFF;
	s21 =	sshll.u32 s10, $0x1;
	s7 =	sadd.s32 s8, s19  }
0xa0: {  	s11 =	simm.s32 $0x0;
	s20 =	sshll.u32 s9, $0x1;
	s9 =	sadd.s32 s21, s7  }
0xa1: {  	[timem:s11], [sflag:s22] =	dma.local [hbm:s9], s20  }
0xa2: {  	_ =	swait.ge [sflag:s22], s20  }
0xa3: {  	s8 =	ssub.s32 $0x0, s20;
	[sflag:s22] =	ssyncset.done $0x0  }
0xa4: {  	[sflag:s22] =	ssyncadd.s32 s8;
	_ =	sdelay $0x1  }
0xa5: {  	s23 =	simm.s32 $0x1B8B  }
0xa6: {  	_ =	swait.ge [sflag:s23], $0x1  }
0xa7: {  	[sflag:s23] =	ssyncset.done $0x0  }
0xa8: {  	s25 =	simm.s32 $0x1B8E;
	s24 =	sld [smem:$0x3FFE];
	[sflag:s23] =	ssyncadd.s32 $0xFFFFFFFF  }
0xa9: {  	s26 =	simm.s32 $execute0_lowered;
	[smem:$0x3FD2] =	sst s25  }
0xaa: {  	s9 =	sshll.u32 s26, $0x1;
	_ =	strace $0x80000046;
	[dreg:$0x1] =	wrdreg $0xFFFFFFFF  }
0xab: {  	s28 =	simm.s32 $_size_execute0_lowered;
	s7 =	sadd.s32 s7, s9;
	[dreg:$0x0] =	wrdreg $0x0  }
0xac: {  	s9 =	sshll.u32 s28, $0x1;
	[dreg:$0x2] =	wrdreg s7  }
0xad: {  	[dreg:$0x3] =	wrdreg s9  }
0xae: {  	[dreg:$0x4] =	wrdreg $0xC0  }
0xaf: {  	_ =	task [dreg:s11], $0x5FFFF  }
0xb0: {  	[dreg:$0x1] =	wrdreg $0xFFFFFFFF  }
0xb1: {  	[dreg:$0x0] =	wrdreg $0x60  }
0xb2: {  	[dreg:$0x2] =	wrdreg s24  }
0xb3: {  	[dreg:$0x3] =	wrdreg s2  }
0xb4: {  	[dreg:$0x4] =	wrdreg s18  }
0xb5: {  	[dreg:$0x5] =	wrdreg s4  }
0xb6: {  	[dreg:$0x6] =	wrdreg s5  }
0xb7: {  	[dreg:$0x7] =	wrdreg s6  }
0xb8: {  	[dreg:$0x8] =	wrdreg $0x9  }
0xb9: {  	_ =	task.clear_ibuf [dreg:s11], $0x9FFFF;
	_ =	strace $0x90000046  }
0xba: {  	s29 =	simm.s32 $0x9;
	_ =	strace $0x80000048  }
0xbb: {  	_ =	swait.ge [sflag:s29], $0x1  }
0xbc: {  	[sflag:s29] =	ssyncadd.s32 $0xFFFFFFFF  }
0xbd: {  	_ =	strace $0x90000048  }
0xbe: {  	_ =	sfence  }
0xbf: {  	s30 =	sld [smem:$0x0];
	_ =	sdelay $0x2  }
0xc0: {  	s31 =	sshll.u32 s1, $0xD;
	s1 =	sshrl.u32 s1, $0x2  }
0xc1: {  	s3 =	sand.u32 $0x4000, s31;
	s1 =	sadd.s32 s1, s30  }
0xc2: {  	s0 =	sor.u32 s3, s0;
	s1 =	sshll.u32 s1, $0x11  }
0xc3: {  	s0 =	sor.u32 s1, s0  }
0xc4: {  	s0 =	sadd.s32 $0x8F2B, s0  }
0xc5: {  	[sflag:s0] =	ssyncadd.remote.s32 $0x1  }
0xc6: {  	_ =	sfence.sel $0xFFFF  }
0xc7: {  	[dreg:$0x0] =	wrdreg $0xFFFFFFFF;
	(pc) =	sbr.abs _section_cstart, $3  }
0xc8: {  	[dreg:$0x1] =	wrdreg $0xFFFFFFFF  }
0xc9: {  	_ =	task.clear_ibuf [dreg:s11], $0x2FFFF;
	_ =	strace $0x9FFFFFFF  }
0xca: {  	(tm) =	ssettm $0x7FFFFFFF  }
0xcb: {  	_ =	shalt  }
tec
execute0_lowered:
.L_overlay_start_1:
0x0: {  	(tag) =	ssettag $0x1  }
0x1: {  	s6 =	rddreg [dreg:$0x0]  }
0x2: {  	s0 =	rddreg [dreg:$0x1]  }
0x3: {  	s7 =	rddreg [dreg:$0x2]  }
0x4: {  	s1 =	rddreg [dreg:$0x3]  }
0x5: {  	s2 =	rddreg [dreg:$0x4]  }
0x6: {  	v0 =	vimm.s32 $0xFEDCBA98;
	s8 =	rddreg [dreg:$0x5];
	s4 =	simm.s32 $0x0;
	v1 =	vimm.s32 $0x76543210  }
0x7: {  	s5 =	srdreg.scid;
	s3 =	stileid.u32;
	v2 =	vimm.s32 $0xBA98FEDC;
	v3 =	vimm.s32 $0x32107654;
	v4 =	vimm.s32 $0xDCFE98BA;
	s14 =	simm.s32 $0x100  }
0x8: {  	v5 =	vimm.s32 $0x54761032;
	v6 =	vimm.s32 $0xEFCDAB89;
	v7 =	vimm.s32 $0x67452301;
	s15 =	simm.s32 $0x5;
	s16 =	simm.s32 $0x3;
	s17 =	simm.s32 $0x80  }
0x9: {  	s18 =	simm.s32 $0x4100;
	s19 =	simm.s32 $0x1;
	s20 =	simm.s32 $0x2;
	v0 =	vunpack.c.l.s4.s8 v0;
	v1 =	vunpack.c.l.s4.s8 v1;
	v2 =	vunpack.c.l.s4.s8 v2  }
0xa: {  	s21 =	simm.s32 $0x4;
	s22 =	simm.s32 $0x0;
	s9 =	sand.u32 $0x1, s5;
	v3 =	vunpack.c.l.s4.s8 v3;
	v4 =	vunpack.c.l.s4.s8 v4;
	v5 =	vunpack.c.l.s4.s8 v5  }
0xb: {  	[smem:$0x7FF] =	sst s4;
	s10 =	sshll.u32 s3, $0x9;
	v6 =	vunpack.c.l.s4.s8 v6;
	v7 =	vunpack.c.l.s4.s8 v7;
	s11 =	sshll.u32 s9, $0x8;
	v0 =	vunpack.c.0.s8.s32 v0  }
0xc: {  	s5 =	rddreg [dreg:$0x6];
	s9 =	ssub.s32 $0x2, s9;
	s10 =	sor.u32 s11, s10;
	v2 =	vunpack.c.0.s8.s32 v2;
	v3 =	vunpack.c.0.s8.s32 v3;
	v4 =	vunpack.c.0.s8.s32 v4  }
0xd: {  	s31 =	sshrl.u32 s9, $0x1;
	v5 =	vunpack.c.0.s8.s32 v5;
	v6 =	vunpack.c.0.s8.s32 v6;
	v7 =	vunpack.c.0.s8.s32 v7;
	s11 =	sshrl.u32 s10, $0x3;
	s10 =	sshll.u32 s10, $0x4  }
0xe: {  	_ =	strace $0x80000047;
	v1 =	vunpack.c.0.s8.s32 v1;
	s13 =	ssub.s32 s9, s31;
	s12 =	sand.u32 $0x7000, s10;
	v2 =	vcombine.low v3, v2  }
0xf: {  	s11 =	sadd.s32 s11, s6;
	v3 =	vcombine.low v5, v4;
	v4 =	vcombine.low v7, v6;
	v0 =	vand.u32 $0xF, v0;
	s6 =	sadd.s32 s7, s12;
	s7 =	sadd.s32 s8, s10  }
0x10: {  	s8 =	sadd.s32 $0x400, s11;
	s11 =	smax.u32 s13, $0x1;
	s12 =	simm.s32 $0x8100;
	v0 =	vcombine.low v0, v1  }
0x11: {  	s13 =	simm.s32 $0x8180;
	s9 =	sadd.s32 $0x800, s6;
	s10 =	sadd.s32 $0x800, s7;
	v1 =	vand.u32 $0xF, v2;
	v2 =	vand.u32 $0xF, v3;
	v3 =	vand.u32 $0xF, v4  }
.LBB2_1:
0x12: {  	[tilespmem:s4], [sflag:$0x3] =	stream.linear.gather [hbm4b:s8+s4], $0x100, $0x38;
	[tilespmem:$0x8200] =	vst v63  }
0x13: {  	_ = 	snop  }
0x14: {  	[tilespmem:s12], [sflag:$0x3] =	stream.linear.gather [hbm4b:s1+s4], $0x80, $0x38;
	[tilespmem:$0x8200] =	vst v63  }
0x15: {  	_ = 	snop  }
0x16: {  	[tilespmem:s13], [sflag:$0x3] =	stream.linear.gather [hbm4b:s2+s4], $0x80, $0x38;
	[tilespmem:$0x8200] =	vst v63  }
0x17: {  	_ = 	snop  }
0x18: {  	[tilespmem:s14], [sflag:$0x5] =	stream.linear.gather [hbm4b:s6+s4], $0x4000, $0x38;
	[tilespmem:$0x8200] =	vst v63  }
0x19: {  	_ =	swait.ge [sflag:s15], $0x4000  }
0x1a: {  	[sflag:s15] =	ssyncset.done $0x0  }
0x1b: {  	[sflag:s15] =	ssyncadd.s32 $0xFFFFC000  }
0x1c: {  	_ =	swait.ge [sflag:s16], $0x100  }
0x1d: {  	[sflag:s16] =	ssyncset.done $0x0  }
0x1e: {  	[sflag:s16] =	ssyncadd.s32 $0xFFFFFF00  }
0x1f: {  	_ =	swait.ge [sflag:s16], $0x80  }
0x20: {  	[sflag:s16] =	ssyncset.done $0x0  }
0x21: {  	[sflag:s16] =	ssyncadd.s32 $0xFFFFFF80  }
0x22: {  	_ =	swait.ge [sflag:s16], $0x80  }
0x23: {  	[sflag:s16] =	ssyncset.done $0x0  }
0x24: {  	[sflag:s16] =	ssyncadd.s32 $0xFFFFFF80  }
0x25: {  	[tilespmem:s14], [sflag:$0x1] =	stream.indirect.gather.add.f32 [hbm:s0], $0x80, s4, s17, $0xb8;
	[tilespmem:$0x8200] =	vst v63  }
0x26: {  	_ = 	snop  }
0x27: {  	[tilespmem:s18], [sflag:$0x5] =	stream.linear.gather [hbm4b:s9+s4], $0x4000, $0x38;
	[tilespmem:$0x8200] =	vst v63  }
0x28: {  	_ =	swait.ge [sflag:s15], $0x4000  }
0x29: {  	[sflag:s15] =	ssyncset.done $0x0  }
0x2a: {  	[sflag:s15] =	ssyncadd.s32 $0xFFFFC000  }
0x2b: {  	[tilespmem:s18], [sflag:$0x2] =	stream.indirect.gather.add.f32 [hbm:s0], $0x80, s17, s17, $0xb8;
	[tilespmem:$0x8200] =	vst v63  }
0x2c: {  	v16 =	vld [tilespmem:$0x8100]  }
0x2d: {  	v14 =	vld [tilespmem:$0x8110]  }
0x2e: {  	v12 =	vld [tilespmem:$0x8120]  }
0x2f: {  	v10 =	vld [tilespmem:$0x8130]  }
0x30: {  	v7 =	vld [tilespmem:$0x8140]  }
0x31: {  	v5 =	vld [tilespmem:$0x8150]  }
0x32: {  	v4 =	vld [tilespmem:$0x8160]  }
0x33: {  	v18 =	vld [tilespmem:$0x8170]  }
0x34: {  	v17 =	vld [tilespmem:$0x8180]  }
0x35: {  	v15 =	vld [tilespmem:$0x8190]  }
0x36: {  	v13 =	vld [tilespmem:$0x81A0]  }
0x37: {  	v11 =	vld [tilespmem:$0x81B0]  }
0x38: {  	v9 =	vld [tilespmem:$0x81C0]  }
0x39: {  	v8 =	vld [tilespmem:$0x81D0]  }
0x3a: {  	v6 =	vld [tilespmem:$0x81E0]  }
0x3b: {  	v19 =	vld [tilespmem:$0x81F0];
	_ =	swait.ge [sflag:s19], $0x4000  }
0x3c: {  	[sflag:s19] =	ssyncset.done $0x0  }
0x3d: {  	s23 =	simm.s32 $0x0;
	[sflag:s19] =	ssyncadd.s32 $0xFFFFC000  }
0x3e: {  	v28 =	vld [tilespmem:s23+$0x100]  }
0x3f: {  	v29 =	vld [tilespmem:s23+$0x110]  }
0x40: {  	v30 =	vld [tilespmem:s23+$0x120]  }
0x41: {  	v31 =	vld [tilespmem:s23+$0x130]  }
0x42: {  	v32 =	vld [tilespmem:s23+$0x140]  }
0x43: {  	v33 =	vld [tilespmem:s23+$0x150]  }
0x44: {  	v35 =	vld [tilespmem:s23+$0x160]  }
0x45: {  	v34 =	vld [tilespmem:s23+$0x170];
	_ =	sdelay $0x2  }
0x46: {  	v20 =	vadd.f32 v29, v28;
	v21 =	vadd.f32 v31, v30  }
0x47: {  	v22 =	vadd.f32 v33, v32;
	v23 =	vmul.f32 v28, v28;
	v24 =	vmul.f32 v29, v29  }
0x48: {  	v25 =	vmul.f32 v30, v30;
	v26 =	vmul.f32 v31, v31;
	v27 =	vadd.f32 v34, v35  }
0x49: {  	v36 =	vmul.f32 v32, v32;
	v37 =	vmul.f32 v33, v33;
	v20 =	vadd.f32 v21, v20  }
0x4a: {  	v21 =	vmul.f32 v35, v35;
	v22 =	vadd.f32 v27, v22;
	v27 =	vmul.f32 v34, v34  }
0x4b: {  	v23 =	vadd.f32 v24, v23;
	v24 =	vadd.f32 v26, v25  }
0x4c: {  	v25 =	vadd.f32 v37, v36;
	v21 =	vadd.f32 v27, v21  }
0x4d: {  	v20 =	vadd.f32 v22, v20  }
0x4e: {  	v22 =	vadd.f32 v24, v23;
	v21 =	vadd.f32 v21, v25;
	_ =	sdelay $0x1  }
0x4f: {  	v23 =	vperm.xlane v20, v0;
	v21 =	vadd.f32 v21, v22;
	_ =	sdelay $0x1  }
0x50: {  	v20 =	vadd.f32 v20, v23;
	v22 =	vperm.xlane v21, v0;
	_ =	sdelay $0x1  }
0x51: {  	v23 =	vperm.xlane v20, v1;
	v21 =	vadd.f32 v22, v21;
	_ =	sdelay $0x1  }
0x52: {  	v20 =	vadd.f32 v20, v23;
	v22 =	vperm.xlane v21, v1;
	_ =	sdelay $0x1  }
0x53: {  	s24 =	simm.s32 $0x80;
	v23 =	vperm.xlane v20, v2;
	v24 =	vadd.f32 v22, v21  }
0x54: {  	v26 =	vld [tilespmem:s24+$0x120]  }
0x55: {  	v25 =	vld [tilespmem:s24+$0x130];
	v23 =	vadd.f32 v20, v23;
	v20 =	vperm.xlane v24, v2  }
0x56: {  	v21 =	vld [tilespmem:s24+$0x100]  }
0x57: {  	v22 =	vld [tilespmem:s24+$0x110];
	v27 =	vperm.xlane v23, v3;
	v56 =	vadd.f32 v20, v24  }
0x58: {  	v24 =	vld [tilespmem:s24+$0x140]  }
0x59: {  	v20 =	vld [tilespmem:s24+$0x150];
	v57 =	vadd.f32 v23, v27;
	v38 =	vperm.xlane v56, v3  }
0x5a: {  	v44 =	vmul.f32 v26, v26;
	v59 =	vadd.f32 v25, v26;
	v23 =	vld [tilespmem:s24+$0x160]  }
0x5b: {  	v45 =	vmul.f32 v25, v25;
	v27 =	vld [tilespmem:s24+$0x170];
	v42 =	vmul.f32 $7.812500000e-03, v57;
	v36 =	vadd.f32 v38, v56  }
0x5c: {  	v58 =	vadd.f32 v22, v21;
	v41 =	vmul.f32 v21, v21;
	v43 =	vmul.f32 v22, v22  }
0x5d: {  	v39 =	vmul.f32 v42, v42;
	v36 =	vmul.f32 $7.812500000e-03, v36  }
0x5e: {  	v63 =	vadd.f32 v45, v44;
	v37 =	vadd.f32 v59, v58  }
0x5f: {  	v41 =	vadd.f32 v43, v41;
	v36 =	vsub.f32 v36, v39  }
0x60: {  	v40 =	vadd.f32 v20, v24;
	v60 =	vadd.f32 v27, v23  }
0x61: {  	v46 =	vmul.f32 v24, v24;
	v47 =	vmul.f32 v20, v20;
	v36 =	vadd.f32 $9.999999960e-13, v36  }
0x62: {  	v61 =	vmul.f32 v23, v23;
	v62 =	vmul.f32 v27, v27;
	v39 =	vadd.f32 v60, v40  }
0x63: {  	v49 =	vadd.f32 v47, v46;
	v48 =	vshrl.u32 v36, $0x1;
	v36 =	vmul.f32 $5.000000000e-01, v36  }
0x64: {  	v38 =	vadd.f32 v62, v61;
	v37 =	vadd.f32 v39, v37;
	v50 =	vsub.s32 $0x5F3759DF, v48  }
0x65: {  	v51 =	vmul.f32 v50, v36  }
0x66: {  	v41 =	vadd.f32 v63, v41;
	v38 =	vadd.f32 v38, v49;
	v52 =	vperm.xlane v37, v0  }
0x67: {  	v39 =	vmul.f32 v50, v51  }
0x68: {  	v38 =	vadd.f32 v38, v41;
	v37 =	vadd.f32 v37, v52  }
0x69: {  	v39 =	vsub.f32 $1.500000000e+00, v39  }
0x6a: {  	v41 =	vperm.xlane v38, v0;
	v53 =	vperm.xlane v37, v1  }
0x6b: {  	v39 =	vmul.f32 v50, v39  }
0x6c: {  	v38 =	vadd.f32 v41, v38;
	v37 =	vadd.f32 v37, v53  }
0x6d: {  	v36 =	vmul.f32 v39, v36  }
0x6e: {  	v54 =	vperm.xlane v38, v1;
	v55 =	vperm.xlane v37, v2  }
0x6f: {  	s25 =	simm.s32 $0x100;
	v28 =	vsub.f32 v28, v42;
	v57 =	vsub.f32 v30, v42;
	v36 =	vmul.f32 v36, v39  }
0x70: {  	v30 =	vld [tilespmem:s25+$0x100];
	v38 =	vadd.f32 v54, v38;
	v41 =	vadd.f32 v37, v55  }
0x71: {  	v56 =	vsub.f32 v29, v42;
	v29 =	vld [tilespmem:s25+$0x110];
	v36 =	vsub.f32 $1.500000000e+00, v36  }
0x72: {  	v59 =	vsub.f32 v31, v42;
	v58 =	vperm.xlane v38, v2;
	v60 =	vperm.xlane v41, v3  }
0x73: {  	v34 =	vsub.f32 v34, v42;
	v31 =	vld [tilespmem:s25+$0x120];
	v48 =	vsub.f32 v32, v42;
	v39 =	vmul.f32 v36, v39  }
0x74: {  	v32 =	vld [tilespmem:s25+$0x130];
	v61 =	vadd.f32 v58, v38;
	v62 =	vadd.f32 v41, v60  }
0x75: {  	v36 =	vsub.f32 v35, v42;
	v35 =	vld [tilespmem:s25+$0x150];
	v40 =	vmul.f32 v39, v28;
	v28 =	vmul.f32 v39, v34  }
0x76: {  	v47 =	vadd.f32 v29, v30;
	v63 =	vperm.xlane v61, v3;
	v34 =	vld [tilespmem:s25+$0x140]  }
0x77: {  	v37 =	vsub.f32 v33, v42;
	v33 =	vld [tilespmem:s25+$0x160];
	v38 =	vmul.f32 $7.812500000e-03, v62;
	v49 =	vmul.f32 v28, v18  }
0x78: {  	v46 =	vadd.f32 v63, v61;
	v41 =	vmul.f32 v39, v56;
	v42 =	vmul.f32 v39, v57;
	v28 =	vld [tilespmem:s25+$0x170]  }
0x79: {  	s26 =	simm.s32 $0x600;
	v43 =	vmul.f32 v39, v59;
	v44 =	vmul.f32 v39, v48;
	v45 =	vadd.f32 v49, v19  }
.LBB2_2:
0x7a: {  	p0 =	sne.s32 s26, $0xFE00;
	v48 =	vadd.f32 v32, v31;
	v46 =	vmul.f32 $7.812500000e-03, v46;
	v49 =	vmul.f32 v38, v38  }
0x7b: {  	v51 =	vmul.f32 v30, v30;
	v52 =	vmul.f32 v29, v29;
	v50 =	vadd.f32 v35, v34;
	[tilespmem:s23+$0x170] =	vst v45  }
0x7c: {  	v53 =	vmul.f32 v32, v32;
	v45 =	vmul.f32 v31, v31;
	v46 =	vsub.f32 v46, v49  }
0x7d: {  	v54 =	vmul.f32 v34, v34;
	v55 =	vmul.f32 v35, v35;
	v49 =	vadd.f32 v28, v33  }
0x7e: {  	v47 =	vadd.f32 v48, v47;
	v48 =	vmul.f32 v33, v33;
	v46 =	vadd.f32 $9.999999960e-13, v46  }
0x7f: {  	v51 =	vadd.f32 v52, v51;
	v49 =	vadd.f32 v49, v50;
	v50 =	vmul.f32 v28, v28  }
0x80: {  	v45 =	vadd.f32 v53, v45;
	v52 =	vshrl.u32 v46, $0x1;
	v46 =	vmul.f32 $5.000000000e-01, v46  }
0x81: {  	v53 =	vadd.f32 v55, v54;
	v48 =	vadd.f32 v50, v48;
	v50 =	vsub.s32 $0x5F3759DF, v52  }
0x82: {  	v47 =	vadd.f32 v49, v47;
	v52 =	vsub.f32 v21, v38;
	v21 =	vmovc v30;
	v49 =	vmul.f32 v50, v46  }
0x83: {  	v30 =	vadd.f32 v45, v51;
	v45 =	vadd.f32 v48, v53;
	v48 =	vmul.f32 v39, v37  }
0x84: {  	v51 =	vsub.f32 v26, v38;
	v37 =	vmul.f32 v50, v49;
	v49 =	vsub.f32 v22, v38;
	v22 =	vmovc v29  }
0x85: {  	v26 =	vmovc v31;
	v29 =	vperm.xlane v47, v0;
	v30 =	vadd.f32 v45, v30;
	v45 =	vsub.f32 v25, v38  }
0x86: {  	v53 =	vsub.f32 v24, v38;
	v39 =	vmul.f32 v39, v36;
	v24 =	vmovc v34;
	v25 =	vmovc v32;
	v31 =	vsub.f32 $1.500000000e+00, v37  }
0x87: {  	v29 =	vadd.f32 v47, v29;
	v37 =	vsub.f32 v20, v38;
	v20 =	vmovc v35;
	v32 =	vperm.xlane v30, v0  }
0x88: {  	v36 =	vsub.f32 v23, v38;
	v23 =	vmovc v33;
	v34 =	vmul.f32 v50, v31;
	v31 =	vmul.f32 v40, v16  }
0x89: {  	v33 =	vperm.xlane v29, v1;
	v30 =	vadd.f32 v32, v30;
	v32 =	vmul.f32 v41, v14  }
0x8a: {  	v40 =	vmul.f32 v42, v12;
	v35 =	vmul.f32 v34, v46;
	v31 =	vadd.f32 v31, v17  }
0x8b: {  	v41 =	vmul.f32 v43, v10;
	v33 =	vadd.f32 v29, v33;
	v29 =	vperm.xlane v30, v1  }
0x8c: {  	v35 =	vmul.f32 v35, v34;
	[tilespmem:s23+$0x100] =	vst v31;
	v31 =	vadd.f32 v32, v15;
	v32 =	vmul.f32 v44, v7  }
0x8d: {  	s28 =	sshra.s32 s26, $0x2;
	v42 =	vperm.xlane v33, v2;
	v44 =	vmul.f32 v48, v5;
	v43 =	vadd.f32 v29, v30  }
0x8e: {  	v40 =	vadd.f32 v40, v13;
	v46 =	vmul.f32 v39, v4;
	v30 =	vld [tilespmem:s28+$0x100];
	v35 =	vsub.f32 $1.500000000e+00, v35;
	[tilespmem:s23+$0x110] =	vst v31  }
0x8f: {  	v41 =	vadd.f32 v41, v11;
	v33 =	vadd.f32 v33, v42;
	v29 =	vld [tilespmem:s28+$0x110];
	v42 =	vperm.xlane v43, v2  }
0x90: {  	v27 =	vsub.f32 v27, v38;
	v31 =	vld [tilespmem:s28+$0x120];
	v39 =	vmul.f32 v35, v34;
	[tilespmem:s23+$0x120] =	vst v40;
	v35 =	vadd.f32 v32, v9  }
0x91: {  	v38 =	vperm.xlane v33, v3;
	v32 =	vld [tilespmem:s28+$0x130];
	v43 =	vadd.f32 v42, v43;
	[tilespmem:s23+$0x130] =	vst v41;
	v42 =	vadd.f32 v44, v8  }
.Ltmp0:
0x92: {  	v44 =	vadd.f32 v46, v6;
	v34 =	vld [tilespmem:s28+$0x140];
	v40 =	vmul.f32 v39, v52;
	v47 =	vmul.f32 v39, v27;
	[tilespmem:s23+$0x140] =	vst v35;
	(pc) =	sbr.rel @p0 .LBB2_2-.Ltmp0, $4  }
0x93: {  	v38 =	vadd.f32 v33, v38;
	v41 =	vmul.f32 v39, v49;
	v35 =	vld [tilespmem:s28+$0x150];
	v46 =	vperm.xlane v43, v3;
	[tilespmem:s23+$0x150] =	vst v42  }
0x94: {  	v27 =	vmov v28;
	v42 =	vmul.f32 v39, v51;
	v33 =	vld [tilespmem:s28+$0x160];
	v48 =	vmul.f32 v47, v18;
	[tilespmem:s23+$0x160] =	vst v44;
	s23 =	smov.u32 s24;
	s24 =	smov.u32 s25;
	s25 =	smov.u32 s28  }
0x95: {  	v38 =	vmul.f32 $7.812500000e-03, v38;
	v28 =	vld [tilespmem:s25+$0x170];
	v46 =	vadd.f32 v46, v43;
	v43 =	vmul.f32 v39, v45  }
0x96: {  	s26 =	sadd.s32 $0x200, s26;
	v47 =	vadd.f32 v29, v30;
	v44 =	vmul.f32 v39, v53;
	v45 =	vadd.f32 v48, v19  }
0x97: {  	v50 =	vmul.f32 v30, v30  }
0x98: {  	v48 =	vadd.f32 v32, v31;
	v51 =	vmul.f32 v29, v29;
	v52 =	vmul.f32 v31, v31  }
0x99: {  	v53 =	vmul.f32 v32, v32;
	v55 =	vmul.f32 v34, v34;
	v49 =	vadd.f32 v35, v34  }
0x9a: {  	v56 =	vmul.f32 v35, v35;
	v47 =	vadd.f32 v48, v47;
	v60 =	vmul.f32 v33, v33  }
0x9b: {  	v50 =	vadd.f32 v51, v50;
	v54 =	vadd.f32 v28, v33;
	v61 =	vmul.f32 v28, v28  }
0x9c: {  	v62 =	vadd.f32 v53, v52;
	v63 =	vadd.f32 v56, v55  }
0x9d: {  	v49 =	vadd.f32 v54, v49;
	v48 =	vadd.f32 v61, v60  }
0x9e: {  	v55 =	vadd.f32 v62, v50  }
0x9f: {  	v47 =	vadd.f32 v49, v47;
	v48 =	vadd.f32 v48, v63;
	_ =	sdelay $0x1  }
0xa0: {  	v56 =	vperm.xlane v47, v0;
	v48 =	vadd.f32 v48, v55;
	_ =	sdelay $0x1  }
0xa1: {  	v47 =	vadd.f32 v47, v56;
	v49 =	vperm.xlane v48, v0;
	_ =	sdelay $0x1  }
0xa2: {  	v50 =	vperm.xlane v47, v1;
	v48 =	vadd.f32 v49, v48;
	_ =	sdelay $0x1  }
0xa3: {  	v47 =	vadd.f32 v47, v50;
	v58 =	vperm.xlane v48, v1  }
0xa4: {  	v46 =	vmul.f32 $7.812500000e-03, v46;
	v57 =	vmul.f32 v38, v38  }
0xa5: {  	v59 =	vperm.xlane v47, v2;
	v48 =	vadd.f32 v58, v48  }
0xa6: {  	v46 =	vsub.f32 v46, v57  }
0xa7: {  	v47 =	vadd.f32 v47, v59;
	v60 =	vperm.xlane v48, v2  }
0xa8: {  	v46 =	vadd.f32 $9.999999960e-13, v46  }
0xa9: {  	v62 =	vperm.xlane v47, v3;
	v48 =	vadd.f32 v60, v48  }
0xaa: {  	v61 =	vshrl.u32 v46, $0x1;
	v46 =	vmul.f32 $5.000000000e-01, v46  }
0xab: {  	v63 =	vsub.s32 $0x5F3759DF, v61;
	v47 =	vadd.f32 v47, v62;
	v54 =	vperm.xlane v48, v3  }
0xac: {  	v50 =	vmul.f32 v63, v46  }
0xad: {  	v47 =	vmul.f32 $7.812500000e-03, v47;
	v48 =	vadd.f32 v54, v48  }
0xae: {  	v21 =	vsub.f32 v21, v38;
	v50 =	vmul.f32 v63, v50  }
0xaf: {  	v22 =	vsub.f32 v22, v38;
	v48 =	vmul.f32 $7.812500000e-03, v48;
	v55 =	vmul.f32 v47, v47  }
0xb0: {  	v26 =	vsub.f32 v26, v38;
	v25 =	vsub.f32 v25, v38  }
0xb1: {  	v37 =	vmul.f32 v39, v37;
	v50 =	vsub.f32 $1.500000000e+00, v50;
	v48 =	vsub.f32 v48, v55  }
0xb2: {  	v24 =	vsub.f32 v24, v38;
	v36 =	vmul.f32 v39, v36;
	v20 =	vsub.f32 v20, v38  }
0xb3: {  	v40 =	vmul.f32 v40, v16;
	v49 =	vmul.f32 v63, v50;
	v57 =	vadd.f32 $9.999999960e-13, v48  }
0xb4: {  	v23 =	vsub.f32 v23, v38;
	v41 =	vmul.f32 v41, v14;
	v42 =	vmul.f32 v42, v12  }
0xb5: {  	v56 =	vmul.f32 v49, v46;
	v48 =	vshrl.u32 v57, $0x1;
	v46 =	vmul.f32 $5.000000000e-01, v57  }
0xb6: {  	v43 =	vmul.f32 v43, v10;
	v44 =	vmul.f32 v44, v7;
	v48 =	vsub.s32 $0x5F3759DF, v48  }
0xb7: {  	v27 =	vsub.f32 v27, v38;
	v39 =	vmul.f32 v56, v49;
	v58 =	vmul.f32 v48, v46  }
0xb8: {  	v40 =	vadd.f32 v40, v17;
	v41 =	vadd.f32 v41, v15;
	v37 =	vmul.f32 v37, v5  }
0xb9: {  	v42 =	vadd.f32 v42, v13;
	v39 =	vsub.f32 $1.500000000e+00, v39;
	v59 =	vmul.f32 v48, v58  }
0xba: {  	v36 =	vmul.f32 v36, v4;
	v43 =	vadd.f32 v43, v11;
	v44 =	vadd.f32 v44, v9  }
0xbb: {  	v37 =	vadd.f32 v37, v8;
	v39 =	vmul.f32 v39, v49;
	v38 =	vsub.f32 $1.500000000e+00, v59  }
0xbc: {  	v36 =	vadd.f32 v36, v6;
	v30 =	vsub.f32 v30, v47  }
0xbd: {  	[tilespmem:s23+$0x170] =	vst v45;
	v29 =	vsub.f32 v29, v47;
	v27 =	vmul.f32 v39, v27;
	v38 =	vmul.f32 v48, v38  }
0xbe: {  	[tilespmem:s23+$0x100] =	vst v40;
	v31 =	vsub.f32 v31, v47;
	v21 =	vmul.f32 v39, v21;
	v22 =	vmul.f32 v39, v22  }
0xbf: {  	[tilespmem:s23+$0x110] =	vst v41;
	v61 =	vsub.f32 v32, v47;
	v26 =	vmul.f32 v39, v26;
	v60 =	vmul.f32 v38, v46  }
0xc0: {  	[tilespmem:s23+$0x120] =	vst v42;
	v62 =	vsub.f32 v34, v47;
	v25 =	vmul.f32 v39, v25;
	v27 =	vmul.f32 v27, v18  }
0xc1: {  	[tilespmem:s23+$0x130] =	vst v43;
	v28 =	vsub.f32 v28, v47;
	v21 =	vmul.f32 v21, v16;
	v40 =	vmul.f32 v60, v38  }
0xc2: {  	[tilespmem:s23+$0x140] =	vst v44;
	v24 =	vmul.f32 v39, v24;
	v22 =	vmul.f32 v22, v14;
	v27 =	vadd.f32 v27, v19  }
0xc3: {  	[tilespmem:s23+$0x150] =	vst v37;
	v26 =	vmul.f32 v26, v12;
	v21 =	vadd.f32 v21, v17;
	v41 =	vsub.f32 $1.500000000e+00, v40  }
0xc4: {  	v23 =	vmul.f32 v39, v23;
	v25 =	vmul.f32 v25, v10;
	v22 =	vadd.f32 v22, v15;
	[tilespmem:s24+$0x170] =	vst v27  }
0xc5: {  	[tilespmem:s24+$0x100] =	vst v21;
	v21 =	vmul.f32 v24, v7;
	v24 =	vadd.f32 v26, v13;
	v27 =	vmul.f32 v41, v38  }
0xc6: {  	v63 =	vsub.f32 v35, v47;
	v20 =	vmul.f32 v39, v20;
	[tilespmem:s24+$0x110] =	vst v22;
	v22 =	vadd.f32 v25, v11  }
0xc7: {  	v23 =	vmul.f32 v23, v4;
	[tilespmem:s24+$0x120] =	vst v24;
	v21 =	vadd.f32 v21, v9;
	v25 =	vmul.f32 v27, v28  }
0xc8: {  	v42 =	vsub.f32 v33, v47;
	v20 =	vmul.f32 v20, v5;
	[tilespmem:s24+$0x130] =	vst v22;
	v24 =	vmul.f32 v27, v30  }
0xc9: {  	[tilespmem:s24+$0x140] =	vst v21;
	v21 =	vadd.f32 v23, v6;
	v22 =	vmul.f32 v27, v29;
	v25 =	vmul.f32 v25, v18  }
0xca: {  	[tilespmem:s23+$0x160] =	vst v36;
	v20 =	vadd.f32 v20, v8;
	v23 =	vmul.f32 v27, v31;
	v24 =	vmul.f32 v24, v16  }
0xcb: {  	[tilespmem:s24+$0x160] =	vst v21;
	v21 =	vmul.f32 v27, v62;
	v22 =	vmul.f32 v22, v14;
	v25 =	vadd.f32 v25, v19  }
0xcc: {  	[tilespmem:s24+$0x150] =	vst v20;
	v20 =	vmul.f32 v27, v61;
	v23 =	vmul.f32 v23, v12;
	v24 =	vadd.f32 v24, v17  }
0xcd: {  	v26 =	vmul.f32 v27, v42;
	v21 =	vmul.f32 v21, v7;
	v22 =	vadd.f32 v22, v15;
	[tilespmem:s25+$0x170] =	vst v25  }
0xce: {  	v20 =	vmul.f32 v20, v10;
	v23 =	vadd.f32 v23, v13;
	v25 =	vmul.f32 v27, v63;
	[tilespmem:s25+$0x100] =	vst v24  }
0xcf: {  	v21 =	vadd.f32 v21, v9;
	[tilespmem:s25+$0x110] =	vst v22;
	v22 =	vmul.f32 v26, v4  }
0xd0: {  	v20 =	vadd.f32 v20, v11;
	[tilespmem:s25+$0x120] =	vst v23;
	v24 =	vmul.f32 v25, v5  }
0xd1: {  	[tilespmem:s25+$0x140] =	vst v21;
	v21 =	vadd.f32 v22, v6  }
0xd2: {  	[tilespmem:s25+$0x130] =	vst v20;
	v20 =	vadd.f32 v24, v8  }
0xd3: {  	[tilespmem:s25+$0x160] =	vst v21  }
0xd4: {  	s31 =	simm.s32 $0x0;
	[tilespmem:s25+$0x150] =	vst v20  }
0xd5: {  	[hbm4b:s7+s31] =	stream.linear.scatter [tilespmem:s14], [sflag:$0x4], $0x4000, $0x38;
	[tilespmem:$0x8200] =	vst v63  }
0xd6: {  	_ =	swait.ge [sflag:s20], $0x4000  }
0xd7: {  	[sflag:s20] =	ssyncset.done $0x0  }
0xd8: {  	s23 =	simm.s32 $0x0;
	[sflag:s20] =	ssyncadd.s32 $0xFFFFC000  }
0xd9: {  	v28 =	vld [tilespmem:s23+$0x4100]  }
0xda: {  	v29 =	vld [tilespmem:s23+$0x4110]  }
0xdb: {  	v30 =	vld [tilespmem:s23+$0x4120]  }
0xdc: {  	v31 =	vld [tilespmem:s23+$0x4130]  }
0xdd: {  	v32 =	vld [tilespmem:s23+$0x4140]  }
0xde: {  	v33 =	vld [tilespmem:s23+$0x4150]  }
0xdf: {  	v35 =	vld [tilespmem:s23+$0x4160]  }
0xe0: {  	v34 =	vld [tilespmem:s23+$0x4170];
	_ =	sdelay $0x2  }
0xe1: {  	v20 =	vadd.f32 v29, v28;
	v21 =	vadd.f32 v31, v30  }
0xe2: {  	v22 =	vadd.f32 v33, v32;
	v23 =	vmul.f32 v28, v28;
	v24 =	vmul.f32 v29, v29  }
0xe3: {  	v25 =	vmul.f32 v30, v30;
	v26 =	vmul.f32 v31, v31;
	v27 =	vadd.f32 v34, v35  }
0xe4: {  	v43 =	vmul.f32 v32, v32;
	v44 =	vmul.f32 v33, v33;
	v20 =	vadd.f32 v21, v20  }
0xe5: {  	v21 =	vmul.f32 v35, v35;
	v22 =	vadd.f32 v27, v22;
	v27 =	vmul.f32 v34, v34  }
0xe6: {  	v23 =	vadd.f32 v24, v23;
	v24 =	vadd.f32 v26, v25  }
0xe7: {  	v25 =	vadd.f32 v44, v43;
	v21 =	vadd.f32 v27, v21  }
0xe8: {  	v20 =	vadd.f32 v22, v20  }
0xe9: {  	v22 =	vadd.f32 v24, v23;
	v21 =	vadd.f32 v21, v25;
	_ =	sdelay $0x1  }
0xea: {  	v23 =	vperm.xlane v20, v0;
	v21 =	vadd.f32 v21, v22;
	_ =	sdelay $0x1  }
0xeb: {  	v20 =	vadd.f32 v20, v23;
	v22 =	vperm.xlane v21, v0;
	_ =	sdelay $0x1  }
0xec: {  	v23 =	vperm.xlane v20, v1;
	v21 =	vadd.f32 v22, v21;
	_ =	sdelay $0x1  }
0xed: {  	v20 =	vadd.f32 v20, v23;
	v22 =	vperm.xlane v21, v1;
	_ =	sdelay $0x1  }
0xee: {  	s24 =	simm.s32 $0x80;
	v23 =	vperm.xlane v20, v2;
	v24 =	vadd.f32 v22, v21  }
0xef: {  	v26 =	vld [tilespmem:s24+$0x4120]  }
0xf0: {  	v25 =	vld [tilespmem:s24+$0x4130];
	v23 =	vadd.f32 v20, v23;
	v20 =	vperm.xlane v24, v2  }
0xf1: {  	v21 =	vld [tilespmem:s24+$0x4100]  }
0xf2: {  	v22 =	vld [tilespmem:s24+$0x4110];
	v27 =	vperm.xlane v23, v3;
	v45 =	vadd.f32 v20, v24  }
0xf3: {  	v24 =	vld [tilespmem:s24+$0x4140]  }
0xf4: {  	v20 =	vld [tilespmem:s24+$0x4150];
	v46 =	vadd.f32 v23, v27;
	v47 =	vperm.xlane v45, v3  }
0xf5: {  	v54 =	vmul.f32 v26, v26;
	v49 =	vadd.f32 v25, v26;
	v23 =	vld [tilespmem:s24+$0x4160]  }
0xf6: {  	v55 =	vmul.f32 v25, v25;
	v27 =	vld [tilespmem:s24+$0x4170];
	v42 =	vmul.f32 $7.812500000e-03, v46;
	v36 =	vadd.f32 v47, v45  }
0xf7: {  	v48 =	vadd.f32 v22, v21;
	v52 =	vmul.f32 v21, v21;
	v53 =	vmul.f32 v22, v22  }
0xf8: {  	v50 =	vmul.f32 v42, v42;
	v36 =	vmul.f32 $7.812500000e-03, v36  }
0xf9: {  	v61 =	vadd.f32 v55, v54;
	v37 =	vadd.f32 v49, v48  }
0xfa: {  	v41 =	vadd.f32 v53, v52;
	v36 =	vsub.f32 v36, v50  }
0xfb: {  	v51 =	vadd.f32 v20, v24;
	v56 =	vadd.f32 v27, v23  }
0xfc: {  	v57 =	vmul.f32 v24, v24;
	v58 =	vmul.f32 v20, v20;
	v36 =	vadd.f32 $9.999999960e-13, v36  }
0xfd: {  	v59 =	vmul.f32 v23, v23;
	v60 =	vmul.f32 v27, v27;
	v39 =	vadd.f32 v56, v51  }
0xfe: {  	v63 =	vadd.f32 v58, v57;
	v62 =	vshrl.u32 v36, $0x1;
	v36 =	vmul.f32 $5.000000000e-01, v36  }
0xff: {  	v38 =	vadd.f32 v60, v59;
	v37 =	vadd.f32 v39, v37;
	v48 =	vsub.s32 $0x5F3759DF, v62  }
0x100: {  	v49 =	vmul.f32 v48, v36  }
0x101: {  	v41 =	vadd.f32 v61, v41;
	v38 =	vadd.f32 v38, v63;
	v50 =	vperm.xlane v37, v0  }
0x102: {  	v39 =	vmul.f32 v48, v49  }
0x103: {  	v38 =	vadd.f32 v38, v41;
	v37 =	vadd.f32 v37, v50  }
0x104: {  	v39 =	vsub.f32 $1.500000000e+00, v39  }
0x105: {  	v41 =	vperm.xlane v38, v0;
	v51 =	vperm.xlane v37, v1  }
0x106: {  	v39 =	vmul.f32 v48, v39  }
0x107: {  	v38 =	vadd.f32 v41, v38;
	v37 =	vadd.f32 v37, v51  }
0x108: {  	v36 =	vmul.f32 v39, v36  }
0x109: {  	v52 =	vperm.xlane v38, v1;
	v53 =	vperm.xlane v37, v2  }
0x10a: {  	s25 =	simm.s32 $0x100;
	v28 =	vsub.f32 v28, v42;
	v55 =	vsub.f32 v30, v42;
	v36 =	vmul.f32 v36, v39  }
0x10b: {  	v30 =	vld [tilespmem:s25+$0x4100];
	v38 =	vadd.f32 v52, v38;
	v41 =	vadd.f32 v37, v53  }
0x10c: {  	v54 =	vsub.f32 v29, v42;
	v29 =	vld [tilespmem:s25+$0x4110];
	v36 =	vsub.f32 $1.500000000e+00, v36  }
0x10d: {  	v34 =	vsub.f32 v34, v42;
	v56 =	vperm.xlane v38, v2;
	v59 =	vperm.xlane v41, v3  }
0x10e: {  	v57 =	vsub.f32 v31, v42;
	v58 =	vsub.f32 v32, v42;
	v31 =	vld [tilespmem:s25+$0x4120];
	v39 =	vmul.f32 v36, v39  }
0x10f: {  	v32 =	vld [tilespmem:s25+$0x4130];
	v60 =	vadd.f32 v56, v38;
	v61 =	vadd.f32 v41, v59  }
0x110: {  	v36 =	vsub.f32 v35, v42;
	v35 =	vld [tilespmem:s25+$0x4150];
	v40 =	vmul.f32 v39, v28;
	v28 =	vmul.f32 v39, v34  }
0x111: {  	v47 =	vadd.f32 v29, v30;
	v62 =	vperm.xlane v60, v3;
	v34 =	vld [tilespmem:s25+$0x4140]  }
0x112: {  	v37 =	vsub.f32 v33, v42;
	v33 =	vld [tilespmem:s25+$0x4160];
	v38 =	vmul.f32 $7.812500000e-03, v61;
	v63 =	vmul.f32 v28, v18  }
0x113: {  	v46 =	vadd.f32 v62, v60;
	v41 =	vmul.f32 v39, v54;
	v42 =	vmul.f32 v39, v55;
	v28 =	vld [tilespmem:s25+$0x4170]  }
0x114: {  	s26 =	simm.s32 $0x600;
	v43 =	vmul.f32 v39, v57;
	v44 =	vmul.f32 v39, v58;
	v45 =	vadd.f32 v63, v19  }
.LBB2_4:
0x115: {  	p0 =	sne.s32 s26, $0xFE00;
	v48 =	vadd.f32 v32, v31;
	v46 =	vmul.f32 $7.812500000e-03, v46;
	v49 =	vmul.f32 v38, v38  }
0x116: {  	v51 =	vmul.f32 v30, v30;
	v52 =	vmul.f32 v29, v29;
	v50 =	vadd.f32 v35, v34;
	[tilespmem:s23+$0x4170] =	vst v45  }
0x117: {  	v53 =	vmul.f32 v32, v32;
	v45 =	vmul.f32 v31, v31;
	v46 =	vsub.f32 v46, v49  }
0x118: {  	v54 =	vmul.f32 v34, v34;
	v55 =	vmul.f32 v35, v35;
	v49 =	vadd.f32 v28, v33  }
0x119: {  	v47 =	vadd.f32 v48, v47;
	v48 =	vmul.f32 v33, v33;
	v46 =	vadd.f32 $9.999999960e-13, v46  }
0x11a: {  	v51 =	vadd.f32 v52, v51;
	v49 =	vadd.f32 v49, v50;
	v50 =	vmul.f32 v28, v28  }
0x11b: {  	v45 =	vadd.f32 v53, v45;
	v52 =	vshrl.u32 v46, $0x1;
	v46 =	vmul.f32 $5.000000000e-01, v46  }
0x11c: {  	v53 =	vadd.f32 v55, v54;
	v48 =	vadd.f32 v50, v48;
	v50 =	vsub.s32 $0x5F3759DF, v52  }
0x11d: {  	v47 =	vadd.f32 v49, v47;
	v52 =	vsub.f32 v21, v38;
	v21 =	vmovc v30;
	v49 =	vmul.f32 v50, v46  }
0x11e: {  	v30 =	vadd.f32 v45, v51;
	v45 =	vadd.f32 v48, v53;
	v48 =	vmul.f32 v39, v37  }
0x11f: {  	v51 =	vsub.f32 v26, v38;
	v37 =	vmul.f32 v50, v49;
	v49 =	vsub.f32 v22, v38;
	v22 =	vmovc v29  }
0x120: {  	v26 =	vmovc v31;
	v29 =	vperm.xlane v47, v0;
	v30 =	vadd.f32 v45, v30;
	v45 =	vsub.f32 v25, v38  }
0x121: {  	v53 =	vsub.f32 v24, v38;
	v39 =	vmul.f32 v39, v36;
	v24 =	vmovc v34;
	v25 =	vmovc v32;
	v31 =	vsub.f32 $1.500000000e+00, v37  }
0x122: {  	v29 =	vadd.f32 v47, v29;
	v37 =	vsub.f32 v20, v38;
	v20 =	vmovc v35;
	v32 =	vperm.xlane v30, v0  }
0x123: {  	v36 =	vsub.f32 v23, v38;
	v23 =	vmovc v33;
	v34 =	vmul.f32 v50, v31;
	v31 =	vmul.f32 v40, v16  }
0x124: {  	v33 =	vperm.xlane v29, v1;
	v30 =	vadd.f32 v32, v30;
	v32 =	vmul.f32 v41, v14  }
0x125: {  	v40 =	vmul.f32 v42, v12;
	v35 =	vmul.f32 v34, v46;
	v31 =	vadd.f32 v31, v17  }
0x126: {  	v41 =	vmul.f32 v43, v10;
	v33 =	vadd.f32 v29, v33;
	v29 =	vperm.xlane v30, v1  }
0x127: {  	v35 =	vmul.f32 v35, v34;
	[tilespmem:s23+$0x4100] =	vst v31;
	v31 =	vadd.f32 v32, v15;
	v32 =	vmul.f32 v44, v7  }
0x128: {  	s28 =	sshra.s32 s26, $0x2;
	v42 =	vperm.xlane v33, v2;
	v44 =	vmul.f32 v48, v5;
	v43 =	vadd.f32 v29, v30  }
0x129: {  	v40 =	vadd.f32 v40, v13;
	v46 =	vmul.f32 v39, v4;
	v30 =	vld [tilespmem:s28+$0x4100];
	v35 =	vsub.f32 $1.500000000e+00, v35;
	[tilespmem:s23+$0x4110] =	vst v31  }
0x12a: {  	v41 =	vadd.f32 v41, v11;
	v33 =	vadd.f32 v33, v42;
	v29 =	vld [tilespmem:s28+$0x4110];
	v42 =	vperm.xlane v43, v2  }
0x12b: {  	v27 =	vsub.f32 v27, v38;
	v31 =	vld [tilespmem:s28+$0x4120];
	v39 =	vmul.f32 v35, v34;
	[tilespmem:s23+$0x4120] =	vst v40;
	v35 =	vadd.f32 v32, v9  }
0x12c: {  	v38 =	vperm.xlane v33, v3;
	v32 =	vld [tilespmem:s28+$0x4130];
	v43 =	vadd.f32 v42, v43;
	[tilespmem:s23+$0x4130] =	vst v41;
	v42 =	vadd.f32 v44, v8  }
.Ltmp1:
0x12d: {  	v44 =	vadd.f32 v46, v6;
	v34 =	vld [tilespmem:s28+$0x4140];
	v40 =	vmul.f32 v39, v52;
	v47 =	vmul.f32 v39, v27;
	[tilespmem:s23+$0x4140] =	vst v35;
	(pc) =	sbr.rel @p0 .LBB2_4-.Ltmp1, $4  }
0x12e: {  	v38 =	vadd.f32 v33, v38;
	v41 =	vmul.f32 v39, v49;
	v35 =	vld [tilespmem:s28+$0x4150];
	v46 =	vperm.xlane v43, v3;
	[tilespmem:s23+$0x4150] =	vst v42  }
0x12f: {  	v27 =	vmov v28;
	v42 =	vmul.f32 v39, v51;
	v33 =	vld [tilespmem:s28+$0x4160];
	v48 =	vmul.f32 v47, v18;
	[tilespmem:s23+$0x4160] =	vst v44;
	s23 =	smov.u32 s24;
	s24 =	smov.u32 s25;
	s25 =	smov.u32 s28  }
0x130: {  	v38 =	vmul.f32 $7.812500000e-03, v38;
	v28 =	vld [tilespmem:s25+$0x4170];
	v46 =	vadd.f32 v46, v43;
	v43 =	vmul.f32 v39, v45  }
0x131: {  	s26 =	sadd.s32 $0x200, s26;
	v47 =	vadd.f32 v29, v30;
	v44 =	vmul.f32 v39, v53;
	v45 =	vadd.f32 v48, v19  }
0x132: {  	v50 =	vmul.f32 v30, v30  }
0x133: {  	v48 =	vadd.f32 v32, v31;
	v51 =	vmul.f32 v29, v29;
	v52 =	vmul.f32 v31, v31  }
0x134: {  	v53 =	vmul.f32 v32, v32;
	v55 =	vmul.f32 v34, v34;
	v49 =	vadd.f32 v35, v34  }
0x135: {  	v56 =	vmul.f32 v35, v35;
	v47 =	vadd.f32 v48, v47;
	v60 =	vmul.f32 v33, v33  }
0x136: {  	v50 =	vadd.f32 v51, v50;
	v54 =	vadd.f32 v28, v33;
	v61 =	vmul.f32 v28, v28  }
0x137: {  	v62 =	vadd.f32 v53, v52;
	v63 =	vadd.f32 v56, v55  }
0x138: {  	v49 =	vadd.f32 v54, v49;
	v48 =	vadd.f32 v61, v60  }
0x139: {  	v53 =	vadd.f32 v62, v50  }
0x13a: {  	v47 =	vadd.f32 v49, v47;
	v48 =	vadd.f32 v48, v63;
	_ =	sdelay $0x1  }
0x13b: {  	v54 =	vperm.xlane v47, v0;
	v48 =	vadd.f32 v48, v53;
	_ =	sdelay $0x1  }
0x13c: {  	v47 =	vadd.f32 v47, v54;
	v49 =	vperm.xlane v48, v0;
	_ =	sdelay $0x1  }
0x13d: {  	v50 =	vperm.xlane v47, v1;
	v48 =	vadd.f32 v49, v48;
	_ =	sdelay $0x1  }
0x13e: {  	v47 =	vadd.f32 v47, v50;
	v56 =	vperm.xlane v48, v1  }
0x13f: {  	v46 =	vmul.f32 $7.812500000e-03, v46;
	v55 =	vmul.f32 v38, v38  }
0x140: {  	v57 =	vperm.xlane v47, v2;
	v48 =	vadd.f32 v56, v48  }
0x141: {  	v46 =	vsub.f32 v46, v55  }
0x142: {  	v47 =	vadd.f32 v47, v57;
	v58 =	vperm.xlane v48, v2  }
0x143: {  	v46 =	vadd.f32 $9.999999960e-13, v46  }
0x144: {  	v60 =	vperm.xlane v47, v3;
	v48 =	vadd.f32 v58, v48  }
0x145: {  	v59 =	vshrl.u32 v46, $0x1;
	v46 =	vmul.f32 $5.000000000e-01, v46  }
0x146: {  	v61 =	vsub.s32 $0x5F3759DF, v59;
	v47 =	vadd.f32 v47, v60;
	v62 =	vperm.xlane v48, v3  }
0x147: {  	v50 =	vmul.f32 v61, v46  }
0x148: {  	v47 =	vmul.f32 $7.812500000e-03, v47;
	v48 =	vadd.f32 v62, v48  }
0x149: {  	v21 =	vsub.f32 v21, v38;
	v50 =	vmul.f32 v61, v50  }
0x14a: {  	v22 =	vsub.f32 v22, v38;
	v48 =	vmul.f32 $7.812500000e-03, v48;
	v63 =	vmul.f32 v47, v47  }
0x14b: {  	v26 =	vsub.f32 v26, v38;
	v25 =	vsub.f32 v25, v38  }
0x14c: {  	v37 =	vmul.f32 v39, v37;
	v50 =	vsub.f32 $1.500000000e+00, v50;
	v48 =	vsub.f32 v48, v63  }
0x14d: {  	v24 =	vsub.f32 v24, v38;
	v36 =	vmul.f32 v39, v36;
	v20 =	vsub.f32 v20, v38  }
0x14e: {  	v40 =	vmul.f32 v40, v16;
	v49 =	vmul.f32 v61, v50;
	v55 =	vadd.f32 $9.999999960e-13, v48  }
0x14f: {  	v23 =	vsub.f32 v23, v38;
	v41 =	vmul.f32 v41, v14;
	v42 =	vmul.f32 v42, v12  }
0x150: {  	v54 =	vmul.f32 v49, v46;
	v48 =	vshrl.u32 v55, $0x1;
	v46 =	vmul.f32 $5.000000000e-01, v55  }
0x151: {  	v43 =	vmul.f32 v43, v10;
	v27 =	vsub.f32 v27, v38;
	v48 =	vsub.s32 $0x5F3759DF, v48  }
0x152: {  	v44 =	vmul.f32 v44, v7;
	v40 =	vadd.f32 v40, v17;
	v56 =	vmul.f32 v48, v46  }
0x153: {  	v41 =	vadd.f32 v41, v15;
	v37 =	vmul.f32 v37, v5;
	v39 =	vmul.f32 v54, v49  }
0x154: {  	v42 =	vadd.f32 v42, v13;
	v43 =	vadd.f32 v43, v11;
	v57 =	vmul.f32 v48, v56  }
0x155: {  	v36 =	vmul.f32 v36, v4;
	v44 =	vadd.f32 v44, v9;
	v39 =	vsub.f32 $1.500000000e+00, v39  }
0x156: {  	v37 =	vadd.f32 v37, v8;
	v38 =	vsub.f32 $1.500000000e+00, v57  }
0x157: {  	v36 =	vadd.f32 v36, v6;
	v59 =	vsub.f32 v30, v47;
	v39 =	vmul.f32 v39, v49  }
0x158: {  	[tilespmem:s23+$0x4170] =	vst v45;
	v60 =	vsub.f32 v29, v47;
	v61 =	vsub.f32 v31, v47;
	v38 =	vmul.f32 v48, v38  }
0x159: {  	[tilespmem:s23+$0x4100] =	vst v40;
	v62 =	vsub.f32 v32, v47;
	v27 =	vmul.f32 v39, v27;
	v21 =	vmul.f32 v39, v21  }
0x15a: {  	[tilespmem:s23+$0x4110] =	vst v41;
	v41 =	vsub.f32 v35, v47;
	v22 =	vmul.f32 v39, v22;
	v58 =	vmul.f32 v38, v46  }
0x15b: {  	[tilespmem:s23+$0x4140] =	vst v44;
	v44 =	vsub.f32 v28, v47;
	v26 =	vmul.f32 v39, v26;
	v25 =	vmul.f32 v39, v25  }
0x15c: {  	[tilespmem:s23+$0x4120] =	vst v42;
	v45 =	vsub.f32 v33, v47;
	v27 =	vmul.f32 v27, v18;
	v40 =	vmul.f32 v58, v38  }
0x15d: {  	[tilespmem:s23+$0x4130] =	vst v43;
	v63 =	vsub.f32 v34, v47;
	v20 =	vmul.f32 v39, v20;
	v21 =	vmul.f32 v21, v16  }
0x15e: {  	[tilespmem:s23+$0x4150] =	vst v37;
	v22 =	vmul.f32 v22, v14;
	v27 =	vadd.f32 v27, v19;
	v42 =	vsub.f32 $1.500000000e+00, v40  }
0x15f: {  	[tilespmem:s23+$0x4160] =	vst v36;
	v23 =	vmul.f32 v39, v23;
	v26 =	vmul.f32 v26, v12;
	v21 =	vadd.f32 v21, v17  }
0x160: {  	v20 =	vmul.f32 v20, v5;
	v22 =	vadd.f32 v22, v15;
	[tilespmem:s24+$0x4170] =	vst v27;
	v43 =	vmul.f32 v42, v38  }
0x161: {  	v24 =	vmul.f32 v39, v24;
	v23 =	vmul.f32 v23, v4;
	v47 =	vadd.f32 v26, v13;
	[tilespmem:s24+$0x4100] =	vst v21  }
0x162: {  	v25 =	vmul.f32 v25, v10;
	v20 =	vadd.f32 v20, v8;
	[tilespmem:s24+$0x4110] =	vst v22;
	v49 =	vmul.f32 v43, v44  }
0x163: {  	v53 =	vadd.f32 v23, v6;
	[tilespmem:s24+$0x4120] =	vst v47;
	v46 =	vmul.f32 v24, v7;
	v50 =	vmul.f32 v43, v59  }
0x164: {  	[tilespmem:s24+$0x4150] =	vst v20;
	v48 =	vadd.f32 v25, v11;
	v51 =	vmul.f32 v43, v60;
	v52 =	vmul.f32 v49, v18  }
0x165: {  	[tilespmem:s24+$0x4160] =	vst v53;
	v21 =	vadd.f32 v46, v9;
	v54 =	vmul.f32 v43, v61;
	v55 =	vmul.f32 v50, v16  }
0x166: {  	[tilespmem:s24+$0x4130] =	vst v48;
	v56 =	vmul.f32 v43, v62;
	v57 =	vmul.f32 v51, v14;
	v18 =	vadd.f32 v52, v19  }
0x167: {  	[tilespmem:s24+$0x4140] =	vst v21;
	v58 =	vmul.f32 v43, v63;
	v59 =	vmul.f32 v54, v12;
	v16 =	vadd.f32 v55, v17  }
0x168: {  	v60 =	vmul.f32 v43, v41;
	v61 =	vmul.f32 v56, v10;
	v14 =	vadd.f32 v57, v15;
	[tilespmem:s25+$0x4170] =	vst v18  }
0x169: {  	v62 =	vmul.f32 v43, v45;
	v63 =	vmul.f32 v58, v7;
	v12 =	vadd.f32 v59, v13;
	[tilespmem:s25+$0x4100] =	vst v16  }
0x16a: {  	v5 =	vmul.f32 v60, v5;
	v10 =	vadd.f32 v61, v11;
	[tilespmem:s25+$0x4110] =	vst v14  }
0x16b: {  	v4 =	vmul.f32 v62, v4;
	v7 =	vadd.f32 v63, v9;
	[tilespmem:s25+$0x4120] =	vst v12  }
0x16c: {  	v5 =	vadd.f32 v5, v8;
	[tilespmem:s25+$0x4130] =	vst v10  }
0x16d: {  	v4 =	vadd.f32 v4, v6;
	[tilespmem:s25+$0x4140] =	vst v7  }
0x16e: {  	[tilespmem:s25+$0x4150] =	vst v5  }
0x16f: {  	s22 =	sadd.s32 $0x1, s22;
	[tilespmem:s25+$0x4160] =	vst v4  }
0x170: {  	[hbm4b:s10+s4] =	stream.linear.scatter [tilespmem:s18], [sflag:$0x4], $0x4000, $0x38;
	[tilespmem:$0x8200] =	vst v63  }
0x171: {  	p0 =	sne.s32 s22, s11;
	_ =	swait.ge [sflag:s21], $0x4000  }
.Ltmp2:
0x172: {  	[sflag:s21] =	ssyncset.done $0x0;
	(pc) =	sbr.rel @p0 .LBB2_1-.Ltmp2, $4  }
0x173: {  	[sflag:s21] =	ssyncadd.s32 $0xFFFFC000  }
0x174: {  	_ =	swait.ge [sflag:s21], $0x4000  }
0x175: {  	[sflag:s21] =	ssyncset.done $0x0  }
0x176: {  	[sflag:s21] =	ssyncadd.s32 $0xFFFFC000  }
0x177: {  	_ =	sfence.sel $0x180000  }
0x178: {  	[bflag:$0x0] =	sbarrier.arrive $0xFFFF  }
0x179: {  	p0 =	sne.s32 s3, $0x0;
	_ =	strace $0x90000047  }
0x17a: {  	s0 =	sadd.s32 @!p0 $0x100000, s5;
	[bflag:$0x2] =	sbarrier.arrive $0xFFFF  }
0x17b: {  	[sflag:s0] =	ssyncadd.tile.s32 @!p0 $0x1;
	_ =	shalt  }
.Lfunc_end2:
_tile_overlayer_lowered:
.L_overlay_start_2:
0x17c: {  	(tag) =	ssettag $0x2  }
0x17d: {  	s0 =	rddreg [dreg:$0x0];
	s2 =	stileid.u32  }
0x17e: {  	s1 =	rddreg [dreg:$0x1];
	p0 =	sne.s32 s2, $0x0  }
0x17f: {  	s3 =	rddreg [dreg:$0x2];
	[bflag:$0x3] =	sbarrier.arrive $0xFFFF;
	s2 =	simm.s32 @!p0 $0x1C05  }
0x180: {  	[timem:s3], [sflag:s2] =	dma.local @!p0 [hbm:s0], s1  }
0x181: {  	s0 =	simm.s32 @!p0 $0x5  }
0x182: {  	_ =	swait.ge @!p0 [sflag:s0], s1  }
0x183: {  	s1 =	ssub.s32 @!p0 $0x0, s1;
	[sflag:s0] =	ssyncset.done @!p0 $0x0  }
0x184: {  	[sflag:s0] =	ssyncadd.s32 @!p0 s1  }
0x185: {  	[bflag:$0x3] =	sbarrier.arrive $0xFFFF  }
0x186: {  	_ =	shalt  }

</sc_bundles>
